<compile_context>
chip_gen: v7x
topology: tpu7x:2x2x1
jax: 0.10.2.dev20260603
libtpu: 0.0.44.dev20260713+nightly
codegen_flags: <defaults>
</compile_context>

<pallas_src>
import numpy as np
import jax
import jax.numpy as jnp
from jax.experimental import pallas as pl
from jax.experimental.pallas import tpu as pltpu

_C = 81
_NROI = 100
_MS = 28
_H = _W = 384
_MAXS = 80
_TH = 16
_NS = _H // _TH
_WP = 512
_N = _TH * _WP
_L = (_TH + 3) * _WP
_CB = 81

_PREC_RESIZE = jax.lax.Precision.HIGHEST
_PREC_CONV = jax.lax.Precision.HIGHEST


def _resize_wmat(n_in: int, n_out: int) -> np.ndarray:
    scale = n_out / n_in
    inv_scale = 1.0 / scale
    kscale = max(inv_scale, 1.0)
    sample_f = (np.arange(n_out, dtype=np.float64) + 0.5) * inv_scale - 0.5
    x = np.abs(sample_f[None, :] - np.arange(n_in, dtype=np.float64)[:, None]) / kscale
    w = np.maximum(0.0, 1.0 - x)
    tot = w.sum(axis=0, keepdims=True)
    w = np.where(np.abs(tot) > 1000.0 * np.finfo(np.float32).eps,
                 w / np.where(tot != 0, tot, 1.0), 0.0)
    ok = (sample_f >= -0.5) & (sample_f <= n_in - 0.5)
    return np.where(ok[None, :], w, 0.0)


def _build_rmat() -> np.ndarray:
    r = np.zeros((_MAXS, _MAXS, _MS), dtype=np.float32)
    for s in range(1, _MAXS + 1):
        r[s - 1, :s, :] = _resize_wmat(_MS, s).T.astype(np.float32)
    return r


_RMAT = _build_rmat()


def _mmap_kernel(boxes_ref, masks_ref, r_ref, m_ref, macc_ref):
    macc_ref[...] = jnp.ones_like(macc_ref)

    def body(t, carry):
        for a in range(4):
            k = 4 * t + a
            x0 = boxes_ref[k, 0]
            y0 = boxes_ref[k, 1]
            w = jnp.maximum(boxes_ref[k, 2] - x0 + 1, 1)
            h = jnp.maximum(boxes_ref[k, 3] - y0 + 1, 1)
            ar = r_ref[w - 1]
            ac = r_ref[h - 1]
            mk = masks_ref[k]
            p = jax.lax.dot(ar, mk, precision=_PREC_RESIZE)
            patch = jax.lax.dot_general(
                p, ac, (((1,), (1,)), ((), ())), precision=_PREC_RESIZE)
            ii = jax.lax.broadcasted_iota(jnp.int32, (_MAXS, _MAXS), 0)
            jj = jax.lax.broadcasted_iota(jnp.int32, (_MAXS, _MAXS), 1)
            f1 = jnp.where((ii < w) & (jj < h), jax.nn.sigmoid(patch), 0.0)
            sj = jax.lax.broadcasted_iota(jnp.int32, (_MAXS, _W), 0)
            sx = jax.lax.broadcasted_iota(jnp.int32, (_MAXS, _W), 1)
            sel = jnp.where(sx - x0 == sj, 1.0, 0.0).astype(jnp.float32)
            strip = jax.lax.dot(f1, sel, precision=_PREC_RESIZE)
            r8 = jax.lax.rem(y0, 8)
            q8 = pl.multiple_of(y0 - r8, 8)
            strip88 = jnp.concatenate(
                [strip, jnp.zeros((8, _W), jnp.float32)], axis=0)
            strip88 = pltpu.roll(strip88, r8, axis=0)
            rows = pl.ds(q8, _MAXS + 8)
            macc_ref[a, rows, :] = macc_ref[a, rows, :] * (1.0 + strip88)
        return carry

    jax.lax.fori_loop(0, _NROI // 4, body, 0)
    m_ref[...] = (macc_ref[0] * macc_ref[1]) * (macc_ref[2] * macc_ref[3])


def _conv_kernel(fm_ref, m_ref, w3_ref, b3_ref, w1_ref, b1_ref, out_ref,
                 xcat_ref):
    i = pl.program_id(0)
    s = jax.lax.rem(i, 2)

    @pl.when(i == 0)
    def _():
        xcat_ref[...] = jnp.zeros_like(xcat_ref)

    xr = jnp.maximum(fm_ref[...] * m_ref[...], 0.0)
    xr = jnp.where(i < _NS, xr, 0.0)
    xrb = xr.astype(jnp.bfloat16)
    for y in range(_TH):
        xcat_ref[s, 0:_C, (y + 1) * _WP:(y + 1) * _WP + _W] = \
            xrb[:, y * _W:(y + 1) * _W]

    @pl.when(i >= 1)
    def _():
        xcat_ref[1 - s, 0:_C, (_TH + 1) * _WP:(_TH + 1) * _WP + _W] = \
            xrb[:, 0:_W]
        v = xcat_ref[1 - s, 0:_C, :]
        xcat_ref[1 - s, _CB:_CB + _C, 1:_L] = v[:, 0:_L - 1]
        xcat_ref[1 - s, 2 * _CB:2 * _CB + _C, 0:_L - 1] = v[:, 1:_L]
        acc = (
            jax.lax.dot(w3_ref[0], xcat_ref[1 - s, :, pl.ds(0, _N)],
                        preferred_element_type=jnp.float32)
            + jax.lax.dot(w3_ref[1], xcat_ref[1 - s, :, pl.ds(_WP, _N)],
                          preferred_element_type=jnp.float32)
            + jax.lax.dot(w3_ref[2], xcat_ref[1 - s, :, pl.ds(2 * _WP, _N)],
                          preferred_element_type=jnp.float32))
        z = (jnp.maximum(acc + b3_ref[...], 0.0)).astype(jnp.bfloat16)
        y2 = jax.lax.dot(w1_ref[...], z,
                         preferred_element_type=jnp.float32) + b1_ref[...]
        for y in range(_TH):
            out_ref[:, y, :] = y2[:, y * _WP:y * _WP + _W]

    xcat_ref[1 - s, 0:_C, 0:_W] = xrb[:, (_TH - 1) * _W:_TH * _W]


def _build_mult(boxes, masks3, rmat):
    return pl.pallas_call(
        _mmap_kernel,
        out_shape=jax.ShapeDtypeStruct((_H, _W), jnp.float32),
        in_specs=[
            pl.BlockSpec(memory_space=pltpu.SMEM),
            pl.BlockSpec(memory_space=pltpu.VMEM),
            pl.BlockSpec(memory_space=pltpu.VMEM),
        ],
        out_specs=pl.BlockSpec(memory_space=pltpu.VMEM),
        scratch_shapes=[pltpu.VMEM((4, _H, _W), jnp.float32)],
    )(boxes, masks3, rmat)


def _fused_conv(fm_flat, m_flat, w3b, b3r, w1b, b1r):
    grid = (_NS + 1,)
    blk = _TH * _W
    return pl.pallas_call(
        _conv_kernel,
        grid=grid,
        out_shape=jax.ShapeDtypeStruct((_C, _H, _W), jnp.float32),
        in_specs=[
            pl.BlockSpec((_C, blk), lambda i: (0, jnp.minimum(i, _NS - 1))),
            pl.BlockSpec((1, blk), lambda i: (0, jnp.minimum(i, _NS - 1))),
            pl.BlockSpec((3, _C, 3 * _CB), lambda i: (0, 0, 0)),
            pl.BlockSpec((_C, 1), lambda i: (0, 0)),
            pl.BlockSpec((_C, _C), lambda i: (0, 0)),
            pl.BlockSpec((_C, 1), lambda i: (0, 0)),
        ],
        out_specs=pl.BlockSpec((_C, _TH, _W),
                               lambda i: (0, jnp.maximum(i - 1, 0), 0)),
        scratch_shapes=[
            pltpu.VMEM((2, 3 * _CB, _L), jnp.bfloat16),
        ],
    )(fm_flat, m_flat, w3b, b3r, w1b, b1r)


def kernel(masks, boxes, feature_map, W3, b3, W1, b1):
    boxes = boxes.astype(jnp.int32)
    masks3 = masks.reshape(_NROI, _MS, _MS)
    rmat = jnp.asarray(_RMAT)
    m = _build_mult(boxes, masks3, rmat)
    fm_flat = feature_map.reshape(_C, _H * _W)
    m_flat = m.reshape(1, _H * _W)
    zpad = jnp.zeros((_C, _CB - _C), W3.dtype)
    w3b = jnp.stack([
        jnp.concatenate([W3[:, :, ky, 1], zpad, W3[:, :, ky, 0], zpad,
                         W3[:, :, ky, 2], zpad], axis=1)
        for ky in range(3)]).astype(jnp.bfloat16)
    w1b = W1[:, :, 0, 0].astype(jnp.bfloat16)
    out = _fused_conv(fm_flat, m_flat, w3b, b3.reshape(_C, 1), w1b,
                      b1.reshape(_C, 1))
    return out.reshape(1, _C, _H, _W)

# --- scband reference (transcript-rebuilt; emitter-appended) ---
"""Pipeline reference for scband-roifeature-fusion-7636451852912 (READ-ONLY COPY).

The authoritative reference and input builder live on the scoring server;
editing this copy changes nothing except your own understanding.
"""

import jax, jax.numpy as jnp
import numpy as np

NUM_CLASS = 81
N_ROI = 100
MH = MW = 28
H = W = 384
MAXS = 80


def _conv(x, w, b, pad):
    y = jax.lax.conv_general_dilated(
        x, w, window_strides=(1, 1), padding=[(pad, pad), (pad, pad)],
        dimension_numbers=('NCHW', 'OIHW', 'NCHW'))
    return y + b[None, :, None, None]


def setup_inputs(seed: int = 0) -> dict:
    key = jax.random.key(seed)
    ks = jax.random.split(key, 10)
    masks = jax.random.normal(ks[0], (N_ROI, 1, MH, MW), dtype=jnp.float32)
    x0 = jax.random.randint(ks[1], (N_ROI,), 0, 300)
    y0 = jax.random.randint(ks[2], (N_ROI,), 0, 300)
    bw = jax.random.randint(ks[3], (N_ROI,), 1, 80)
    bh = jax.random.randint(ks[4], (N_ROI,), 1, 80)
    boxes = jnp.stack([x0, y0, x0 + bw, y0 + bh], axis=1).astype(jnp.int32)
    feature_map = jax.random.normal(ks[5], (1, NUM_CLASS, H, W), dtype=jnp.float32)
    b3x3 = float(np.sqrt(1.0 / (NUM_CLASS * 9)))
    b1x1 = float(np.sqrt(1.0 / NUM_CLASS))
    W3 = jax.random.uniform(ks[6], (NUM_CLASS, NUM_CLASS, 3, 3), minval=-b3x3, maxval=b3x3, dtype=jnp.float32)
    b3 = jnp.zeros((NUM_CLASS,), dtype=jnp.float32)
    W1 = jax.random.uniform(ks[7], (NUM_CLASS, NUM_CLASS, 1, 1), minval=-b1x1, maxval=b1x1, dtype=jnp.float32)
    b1 = jnp.zeros((NUM_CLASS,), dtype=jnp.float32)
    return {"masks": masks, "boxes": boxes, "feature_map": feature_map,
            "W3": W3, "b3": b3, "W1": W1, "b1": b1}


def _row_fn(s):
    def f(m):
        r = jax.image.resize(m, (1, 1, s, MW), method='bilinear')
        return jnp.pad(r, ((0, 0), (0, 0), (0, MAXS - s), (0, 0)))
    return f


def _col_fn(s):
    def f(m):
        r = jax.image.resize(m, (1, 1, MAXS, s), method='bilinear')
        return jnp.pad(r, ((0, 0), (0, 0), (0, 0), (0, MAXS - s)))
    return f


_ROW_FNS = [_row_fn(s) for s in range(1, MAXS + 1)]
_COL_FNS = [_col_fn(s) for s in range(1, MAXS + 1)]


def reference(masks, boxes, feature_map, W3, b3, W1, b1):
    boxes = boxes.astype(jnp.int32)
    fm = feature_map
    _, _, im_h, im_w = fm.shape

    def body(fm, xs):
        mask_i, bx = xs
        # TO_REMOVE = 1
        w = jnp.maximum(bx[2] - bx[0] + 1, 1)
        h = jnp.maximum(bx[3] - bx[1] + 1, 1)
        mask = mask_i[None]  # [1,1,MH,MW] (matches masks.unsqueeze(1) iteration)
        resized = jax.lax.switch(w - 1, _ROW_FNS, mask)
        resized = jax.lax.switch(h - 1, _COL_FNS, resized)
        x_0 = bx[0]
        y_0 = bx[1]
        hh = jnp.minimum(w, im_w - y_0)
        ww = jnp.minimum(h, im_h - x_0)
        # ATTENTION_FUSION branch: detached sigmoid attention, multiplicative update
        att = jax.nn.sigmoid(jax.lax.stop_gradient(resized))
        idx = jnp.arange(MAXS)
        rows = jnp.where(idx < hh, y_0 + idx, im_h)
        cols = jnp.where(idx < ww, x_0 + idx, im_w)
        mult = jnp.ones((im_h, im_w), dtype=fm.dtype).at[
            rows[:, None], cols[None, :]].set(1.0 + att[0, 0], mode='drop')
        return fm * mult[None, None, :, :], None

    fm, _ = jax.lax.scan(body, fm, (masks, boxes))
    out = _conv(jax.nn.relu(fm), W3, b3, 1)
    out = _conv(jax.nn.relu(out), W1, b1, 0)
    return out

if __name__ == "__main__":
    import jax
    _d = setup_inputs()
    print(jax.jit(kernel)(*tuple(_d.values())))

</pallas_src>

<mosaic_0001>
module attributes {stable_mosaic.version = 14 : i64} {
  func.func @_mmap_kernel(%arg0: memref<100x4xi32, #tpu.memory_space<smem>>, %arg1: memref<100x28x28xf32, #tpu.memory_space<vmem>>, %arg2: memref<80x80x28xf32, #tpu.memory_space<vmem>>, %arg3: memref<384x384xf32, #tpu.memory_space<vmem>>, %arg4: memref<4x384x384xf32, #tpu.memory_space<vmem>>) attributes {dimension_semantics = [], scalar_prefetch = 0 : i64, scratch_operands = 1 : i64, tpu.core_type = #tpu.core_type<tc>} {
    %broadcast_in_dim3A = arith.constant 1.000000e+00 : f32
    %broadcast_in_dim3A_0 = vector.broadcast %broadcast_in_dim3A : f32 to vector<4x384x384xf32>
    %swap3A = arith.constant 0 : index
    %swap3A_1 = arith.constant 0 : index
    %swap3A_2 = arith.constant 0 : index
    %swap3A_3 = vector.load %arg4[%swap3A, %swap3A_1, %swap3A_2] : memref<4x384x384xf32, #tpu.memory_space<vmem>>, vector<4x384x384xf32>
    tpu.vector_store %arg4[%swap3A, %swap3A_1, %swap3A_2], %broadcast_in_dim3A_0 {strides = array<i32>} : memref<4x384x384xf32, #tpu.memory_space<vmem>>, vector<4x384x384xf32>,
    %scan3A = arith.constant 0 : i32
    %scan3A_4 = arith.constant 25 : i32
    %scan3A_5 = arith.addi %scan3A, %scan3A_4 : i32
    %scan3A_6 = arith.constant 1 : i32
    scf.for %scan3A_32 = %scan3A to %scan3A_5 step %scan3A_6  : i32 {
      %mul3A_33 = arith.constant 4 : i32
      %mul3A_34 = arith.muli %mul3A_33, %scan3A_32 : i32
      %add3A = arith.constant 0 : i32
      %add3A_35 = arith.addi %mul3A_34, %add3A : i32
      %get3A_36 = arith.index_cast %add3A_35 : i32 to index
      %get3A_37 = arith.constant 0 : index
      %get3A_38 = memref.load %arg0[%get3A_36, %get3A_37] : memref<100x4xi32, #tpu.memory_space<smem>>
      %get3A_39 = arith.index_cast %add3A_35 : i32 to index
      %get3A_40 = arith.constant 1 : index
      %get3A_41 = memref.load %arg0[%get3A_39, %get3A_40] : memref<100x4xi32, #tpu.memory_space<smem>>
      %get3A_42 = arith.index_cast %add3A_35 : i32 to index
      %get3A_43 = arith.constant 2 : index
      %get3A_44 = memref.load %arg0[%get3A_42, %get3A_43] : memref<100x4xi32, #tpu.memory_space<smem>>
      %sub3A = arith.subi %get3A_44, %get3A_38 : i32
      %add3A_45 = arith.constant 1 : i32
      %add3A_46 = arith.addi %sub3A, %add3A_45 : i32
      %max3A = arith.constant 1 : i32
      %max3A_47 = arith.maxsi %add3A_46, %max3A : i32
      %get3A_48 = arith.index_cast %add3A_35 : i32 to index
      %get3A_49 = arith.constant 3 : index
      %get3A_50 = memref.load %arg0[%get3A_48, %get3A_49] : memref<100x4xi32, #tpu.memory_space<smem>>
      %sub3A_51 = arith.subi %get3A_50, %get3A_41 : i32
      %add3A_52 = arith.constant 1 : i32
      %add3A_53 = arith.addi %sub3A_51, %add3A_52 : i32
      %max3A_54 = arith.constant 1 : i32
      %max3A_55 = arith.maxsi %add3A_53, %max3A_54 : i32
      %sub3A_56 = arith.constant 1 : i32
      %sub3A_57 = arith.subi %max3A_47, %sub3A_56 : i32
      %get3A_58 = arith.index_cast %sub3A_57 : i32 to index
      %get3A_59 = arith.constant 0 : index
      %get3A_60 = arith.constant 0 : index
      %get3A_61 = vector.load %arg2[%get3A_58, %get3A_59, %get3A_60] : memref<80x80x28xf32, #tpu.memory_space<vmem>>, vector<1x80x28xf32>
      %get3A_62 = vector.shape_cast %get3A_61 : vector<1x80x28xf32> to vector<80x28xf32>
      %sub3A_63 = arith.constant 1 : i32
      %sub3A_64 = arith.subi %max3A_55, %sub3A_63 : i32
      %get3A_65 = arith.index_cast %sub3A_64 : i32 to index
      %get3A_66 = arith.constant 0 : index
      %get3A_67 = arith.constant 0 : index
      %get3A_68 = vector.load %arg2[%get3A_65, %get3A_66, %get3A_67] : memref<80x80x28xf32, #tpu.memory_space<vmem>>, vector<1x80x28xf32>
      %get3A_69 = vector.shape_cast %get3A_68 : vector<1x80x28xf32> to vector<80x28xf32>
      %get3A_70 = arith.index_cast %add3A_35 : i32 to index
      %get3A_71 = arith.constant 0 : index
      %get3A_72 = arith.constant 0 : index
      %get3A_73 = vector.load %arg1[%get3A_70, %get3A_71, %get3A_72] : memref<100x28x28xf32, #tpu.memory_space<vmem>>, vector<1x28x28xf32>
      %get3A_74 = vector.shape_cast %get3A_73 : vector<1x28x28xf32> to vector<28x28xf32>
      %dot_general3A = arith.constant dense<0.000000e+00> : vector<80x28xf32>
      %dot_general3A_75 = tpu.matmul %get3A_62, %get3A_74, %dot_general3A {dimension_numbers = #tpu.dot_dimension_numbers<[1], [0], [0], [1], [0, 0, 1, 1], [], []>, precision = #tpu.contract_precision<fp32>, transpose_lhs_hint = false} : vector<80x28xf32>, vector<28x28xf32>, vector<80x28xf32> -> vector<80x28xf32>
      %dot_general3A_76 = arith.constant dense<0.000000e+00> : vector<80x80xf32>
      %dot_general3A_77 = tpu.matmul %dot_general3A_75, %get3A_69, %dot_general3A_76 {dimension_numbers = #tpu.dot_dimension_numbers<[1], [1], [0], [0], [0, 0, 1, 0], [], []>, precision = #tpu.contract_precision<fp32>, transpose_lhs_hint = false} : vector<80x28xf32>, vector<80x28xf32>, vector<80x80xf32> -> vector<80x80xf32>
      %iota3A = tpu.iota {dimensions = array<i32: 0>} : vector<80x80xi32>
      %iota3A_78 = tpu.iota {dimensions = array<i32: 1>} : vector<80x80xi32>
      %lt3A = vector.broadcast %max3A_47 : i32 to vector<80x80xi32>
      %lt3A_79 = arith.cmpi slt, %iota3A, %lt3A : vector<80x80xi32>
      %lt3A_80 = vector.broadcast %max3A_55 : i32 to vector<80x80xi32>
      %lt3A_81 = arith.cmpi slt, %iota3A_78, %lt3A_80 : vector<80x80xi32>
      %and3A = arith.andi %lt3A_79, %lt3A_81 : vector<80x80xi1>
      %logistic3A = arith.negf %dot_general3A_77 : vector<80x80xf32>
      %logistic3A_82 = math.exp %logistic3A : vector<80x80xf32>
      %logistic3A_83 = arith.constant 1.000000e+00 : f32
      %logistic3A_84 = vector.broadcast %logistic3A_83 : f32 to vector<80x80xf32>
      %logistic3A_85 = arith.addf %logistic3A_84, %logistic3A_82 : vector<80x80xf32>
      %logistic3A_86 = arith.divf %logistic3A_84, %logistic3A_85 : vector<80x80xf32>
      %jit3A = arith.constant 0.000000e+00 : f32
      %broadcast_in_dim3A_87 = vector.broadcast %jit3A : f32 to vector<80x80xf32>
      %select_n3A = arith.select %and3A, %logistic3A_86, %broadcast_in_dim3A_87 : vector<80x80xi1>, vector<80x80xf32>
      %iota3A_88 = tpu.iota {dimensions = array<i32: 0>} : vector<80x384xi32>
      %iota3A_89 = tpu.iota {dimensions = array<i32: 1>} : vector<80x384xi32>
      %sub3A_90 = vector.broadcast %get3A_38 : i32 to vector<80x384xi32>
      %sub3A_91 = arith.subi %iota3A_89, %sub3A_90 : vector<80x384xi32>
      %eq3A = arith.cmpi eq, %sub3A_91, %iota3A_88 : vector<80x384xi32>
      %jit3A_92 = arith.constant 1.000000e+00 : f32
      %jit3A_93 = arith.constant 0.000000e+00 : f32
      %broadcast_in_dim3A_94 = vector.broadcast %jit3A_92 : f32 to vector<80x384xf32>
      %broadcast_in_dim3A_95 = vector.broadcast %jit3A_93 : f32 to vector<80x384xf32>
      %select_n3A_96 = arith.select %eq3A, %broadcast_in_dim3A_94, %broadcast_in_dim3A_95 : vector<80x384xi1>, vector<80x384xf32>
      %dot_general3A_97 = arith.constant dense<0.000000e+00> : vector<80x384xf32>
      %dot_general3A_98 = tpu.matmul %select_n3A, %select_n3A_96, %dot_general3A_97 {dimension_numbers = #tpu.dot_dimension_numbers<[1], [0], [0], [1], [0, 0, 1, 1], [], []>, precision = #tpu.contract_precision<fp32>, transpose_lhs_hint = false} : vector<80x80xf32>, vector<80x384xf32>, vector<80x384xf32> -> vector<80x384xf32>
      %rem3A = arith.constant 8 : i32
      %rem3A_99 = arith.remsi %get3A_41, %rem3A : i32
      %sub3A_100 = arith.subi %get3A_41, %rem3A_99 : i32
      %multiple_of3A = tpu.assume_multiple %sub3A_100, 8 : i32
      %broadcast_in_dim3A_101 = arith.constant 0.000000e+00 : f32
      %broadcast_in_dim3A_102 = vector.broadcast %broadcast_in_dim3A_101 : f32 to vector<8x384xf32>
      %concatenate3A = tpu.concatenate %dot_general3A_98, %broadcast_in_dim3A_102 in 0 : vector<80x384xf32>, vector<8x384xf32> -> vector<88x384xf32>
      %roll3A = tpu.dynamic_rotate %concatenate3A by %rem3A_99 dim 0 : vector<88x384xf32>, i32 -> vector<88x384xf32>
      %get3A_103 = arith.constant 0 : index
      %get3A_104 = arith.index_cast %multiple_of3A : i32 to index
      %get3A_105 = arith.constant 0 : index
      %get3A_106 = vector.load %arg4[%get3A_103, %get3A_104, %get3A_105] : memref<4x384x384xf32, #tpu.memory_space<vmem>>, vector<1x88x384xf32>
      %get3A_107 = vector.shape_cast %get3A_106 : vector<1x88x384xf32> to vector<88x384xf32>
      %add3A_108 = arith.constant 1.000000e+00 : f32
      %add3A_109 = vector.broadcast %add3A_108 : f32 to vector<88x384xf32>
      %add3A_110 = arith.addf %add3A_109, %roll3A : vector<88x384xf32>
      %mul3A_111 = arith.mulf %get3A_107, %add3A_110 : vector<88x384xf32>
      %swap3A_112 = arith.constant 0 : index
      %swap3A_113 = arith.index_cast %multiple_of3A : i32 to index
      %swap3A_114 = arith.constant 0 : index
      %swap3A_115 = vector.load %arg4[%swap3A_112, %swap3A_113, %swap3A_114] : memref<4x384x384xf32, #tpu.memory_space<vmem>>, vector<1x88x384xf32>
      %swap3A_116 = vector.shape_cast %swap3A_115 : vector<1x88x384xf32> to vector<88x384xf32>
      %swap3A_117 = vector.shape_cast %mul3A_111 : vector<88x384xf32> to vector<1x88x384xf32>
      tpu.vector_store %arg4[%swap3A_112, %swap3A_113, %swap3A_114], %swap3A_117 {strides = array<i32>} : memref<4x384x384xf32, #tpu.memory_space<vmem>>, vector<1x88x384xf32>,
      %mul3A_118 = arith.constant 4 : i32
      %mul3A_119 = arith.muli %mul3A_118, %scan3A_32 : i32
      %add3A_120 = arith.constant 1 : i32
      %add3A_121 = arith.addi %mul3A_119, %add3A_120 : i32
      %get3A_122 = arith.index_cast %add3A_121 : i32 to index
      %get3A_123 = arith.constant 0 : index
      %get3A_124 = memref.load %arg0[%get3A_122, %get3A_123] : memref<100x4xi32, #tpu.memory_space<smem>>
      %get3A_125 = arith.index_cast %add3A_121 : i32 to index
      %get3A_126 = arith.constant 1 : index
      %get3A_127 = memref.load %arg0[%get3A_125, %get3A_126] : memref<100x4xi32, #tpu.memory_space<smem>>
      %get3A_128 = arith.index_cast %add3A_121 : i32 to index
      %get3A_129 = arith.constant 2 : index
      %get3A_130 = memref.load %arg0[%get3A_128, %get3A_129] : memref<100x4xi32, #tpu.memory_space<smem>>
      %sub3A_131 = arith.subi %get3A_130, %get3A_124 : i32
      %add3A_132 = arith.constant 1 : i32
      %add3A_133 = arith.addi %sub3A_131, %add3A_132 : i32
      %max3A_134 = arith.constant 1 : i32
      %max3A_135 = arith.maxsi %add3A_133, %max3A_134 : i32
      %get3A_136 = arith.index_cast %add3A_121 : i32 to index
      %get3A_137 = arith.constant 3 : index
      %get3A_138 = memref.load %arg0[%get3A_136, %get3A_137] : memref<100x4xi32, #tpu.memory_space<smem>>
      %sub3A_139 = arith.subi %get3A_138, %get3A_127 : i32
      %add3A_140 = arith.constant 1 : i32
      %add3A_141 = arith.addi %sub3A_139, %add3A_140 : i32
      %max3A_142 = arith.constant 1 : i32
      %max3A_143 = arith.maxsi %add3A_141, %max3A_142 : i32
      %sub3A_144 = arith.constant 1 : i32
      %sub3A_145 = arith.subi %max3A_135, %sub3A_144 : i32
      %get3A_146 = arith.index_cast %sub3A_145 : i32 to index
      %get3A_147 = arith.constant 0 : index
      %get3A_148 = arith.constant 0 : index
      %get3A_149 = vector.load %arg2[%get3A_146, %get3A_147, %get3A_148] : memref<80x80x28xf32, #tpu.memory_space<vmem>>, vector<1x80x28xf32>
      %get3A_150 = vector.shape_cast %get3A_149 : vector<1x80x28xf32> to vector<80x28xf32>
      %sub3A_151 = arith.constant 1 : i32
      %sub3A_152 = arith.subi %max3A_143, %sub3A_151 : i32
      %get3A_153 = arith.index_cast %sub3A_152 : i32 to index
      %get3A_154 = arith.constant 0 : index
      %get3A_155 = arith.constant 0 : index
      %get3A_156 = vector.load %arg2[%get3A_153, %get3A_154, %get3A_155] : memref<80x80x28xf32, #tpu.memory_space<vmem>>, vector<1x80x28xf32>
      %get3A_157 = vector.shape_cast %get3A_156 : vector<1x80x28xf32> to vector<80x28xf32>
      %get3A_158 = arith.index_cast %add3A_121 : i32 to index
      %get3A_159 = arith.constant 0 : index
      %get3A_160 = arith.constant 0 : index
      %get3A_161 = vector.load %arg1[%get3A_158, %get3A_159, %get3A_160] : memref<100x28x28xf32, #tpu.memory_space<vmem>>, vector<1x28x28xf32>
      %get3A_162 = vector.shape_cast %get3A_161 : vector<1x28x28xf32> to vector<28x28xf32>
      %dot_general3A_163 = arith.constant dense<0.000000e+00> : vector<80x28xf32>
      %dot_general3A_164 = tpu.matmul %get3A_150, %get3A_162, %dot_general3A_163 {dimension_numbers = #tpu.dot_dimension_numbers<[1], [0], [0], [1], [0, 0, 1, 1], [], []>, precision = #tpu.contract_precision<fp32>, transpose_lhs_hint = false} : vector<80x28xf32>, vector<28x28xf32>, vector<80x28xf32> -> vector<80x28xf32>
      %dot_general3A_165 = arith.constant dense<0.000000e+00> : vector<80x80xf32>
      %dot_general3A_166 = tpu.matmul %dot_general3A_164, %get3A_157, %dot_general3A_165 {dimension_numbers = #tpu.dot_dimension_numbers<[1], [1], [0], [0], [0, 0, 1, 0], [], []>, precision = #tpu.contract_precision<fp32>, transpose_lhs_hint = false} : vector<80x28xf32>, vector<80x28xf32>, vector<80x80xf32> -> vector<80x80xf32>
      %iota3A_167 = tpu.iota {dimensions = array<i32: 0>} : vector<80x80xi32>
      %iota3A_168 = tpu.iota {dimensions = array<i32: 1>} : vector<80x80xi32>
      %lt3A_169 = vector.broadcast %max3A_135 : i32 to vector<80x80xi32>
      %lt3A_170 = arith.cmpi slt, %iota3A_167, %lt3A_169 : vector<80x80xi32>
      %lt3A_171 = vector.broadcast %max3A_143 : i32 to vector<80x80xi32>
      %lt3A_172 = arith.cmpi slt, %iota3A_168, %lt3A_171 : vector<80x80xi32>
      %and3A_173 = arith.andi %lt3A_170, %lt3A_172 : vector<80x80xi1>
      %logistic3A_174 = arith.negf %dot_general3A_166 : vector<80x80xf32>
      %logistic3A_175 = math.exp %logistic3A_174 : vector<80x80xf32>
      %logistic3A_176 = arith.constant 1.000000e+00 : f32
      %logistic3A_177 = vector.broadcast %logistic3A_176 : f32 to vector<80x80xf32>
      %logistic3A_178 = arith.addf %logistic3A_177, %logistic3A_175 : vector<80x80xf32>
      %logistic3A_179 = arith.divf %logistic3A_177, %logistic3A_178 : vector<80x80xf32>
      %jit3A_180 = arith.constant 0.000000e+00 : f32
      %broadcast_in_dim3A_181 = vector.broadcast %jit3A_180 : f32 to vector<80x80xf32>
      %select_n3A_182 = arith.select %and3A_173, %logistic3A_179, %broadcast_in_dim3A_181 : vector<80x80xi1>, vector<80x80xf32>
      %iota3A_183 = tpu.iota {dimensions = array<i32: 0>} : vector<80x384xi32>
      %iota3A_184 = tpu.iota {dimensions = array<i32: 1>} : vector<80x384xi32>
      %sub3A_185 = vector.broadcast %get3A_124 : i32 to vector<80x384xi32>
      %sub3A_186 = arith.subi %iota3A_184, %sub3A_185 : vector<80x384xi32>
      %eq3A_187 = arith.cmpi eq, %sub3A_186, %iota3A_183 : vector<80x384xi32>
      %jit3A_188 = arith.constant 1.000000e+00 : f32
      %jit3A_189 = arith.constant 0.000000e+00 : f32
      %broadcast_in_dim3A_190 = vector.broadcast %jit3A_188 : f32 to vector<80x384xf32>
      %broadcast_in_dim3A_191 = vector.broadcast %jit3A_189 : f32 to vector<80x384xf32>
      %select_n3A_192 = arith.select %eq3A_187, %broadcast_in_dim3A_190, %broadcast_in_dim3A_191 : vector<80x384xi1>, vector<80x384xf32>
      %dot_general3A_193 = arith.constant dense<0.000000e+00> : vector<80x384xf32>
      %dot_general3A_194 = tpu.matmul %select_n3A_182, %select_n3A_192, %dot_general3A_193 {dimension_numbers = #tpu.dot_dimension_numbers<[1], [0], [0], [1], [0, 0, 1, 1], [], []>, precision = #tpu.contract_precision<fp32>, transpose_lhs_hint = false} : vector<80x80xf32>, vector<80x384xf32>, vector<80x384xf32> -> vector<80x384xf32>
      %rem3A_195 = arith.constant 8 : i32
      %rem3A_196 = arith.remsi %get3A_127, %rem3A_195 : i32
      %sub3A_197 = arith.subi %get3A_127, %rem3A_196 : i32
      %multiple_of3A_198 = tpu.assume_multiple %sub3A_197, 8 : i32
      %broadcast_in_dim3A_199 = arith.constant 0.000000e+00 : f32
      %broadcast_in_dim3A_200 = vector.broadcast %broadcast_in_dim3A_199 : f32 to vector<8x384xf32>
      %concatenate3A_201 = tpu.concatenate %dot_general3A_194, %broadcast_in_dim3A_200 in 0 : vector<80x384xf32>, vector<8x384xf32> -> vector<88x384xf32>
      %roll3A_202 = tpu.dynamic_rotate %concatenate3A_201 by %rem3A_196 dim 0 : vector<88x384xf32>, i32 -> vector<88x384xf32>
      %get3A_203 = arith.constant 1 : index
      %get3A_204 = arith.index_cast %multiple_of3A_198 : i32 to index
      %get3A_205 = arith.constant 0 : index
      %get3A_206 = vector.load %arg4[%get3A_203, %get3A_204, %get3A_205] : memref<4x384x384xf32, #tpu.memory_space<vmem>>, vector<1x88x384xf32>
      %get3A_207 = vector.shape_cast %get3A_206 : vector<1x88x384xf32> to vector<88x384xf32>
      %add3A_208 = arith.constant 1.000000e+00 : f32
      %add3A_209 = vector.broadcast %add3A_208 : f32 to vector<88x384xf32>
      %add3A_210 = arith.addf %add3A_209, %roll3A_202 : vector<88x384xf32>
      %mul3A_211 = arith.mulf %get3A_207, %add3A_210 : vector<88x384xf32>
      %swap3A_212 = arith.constant 1 : index
      %swap3A_213 = arith.index_cast %multiple_of3A_198 : i32 to index
      %swap3A_214 = arith.constant 0 : index
      %swap3A_215 = vector.load %arg4[%swap3A_212, %swap3A_213, %swap3A_214] : memref<4x384x384xf32, #tpu.memory_space<vmem>>, vector<1x88x384xf32>
      %swap3A_216 = vector.shape_cast %swap3A_215 : vector<1x88x384xf32> to vector<88x384xf32>
      %swap3A_217 = vector.shape_cast %mul3A_211 : vector<88x384xf32> to vector<1x88x384xf32>
      tpu.vector_store %arg4[%swap3A_212, %swap3A_213, %swap3A_214], %swap3A_217 {strides = array<i32>} : memref<4x384x384xf32, #tpu.memory_space<vmem>>, vector<1x88x384xf32>,
      %mul3A_218 = arith.constant 4 : i32
      %mul3A_219 = arith.muli %mul3A_218, %scan3A_32 : i32
      %add3A_220 = arith.constant 2 : i32
      %add3A_221 = arith.addi %mul3A_219, %add3A_220 : i32
      %get3A_222 = arith.index_cast %add3A_221 : i32 to index
      %get3A_223 = arith.constant 0 : index
      %get3A_224 = memref.load %arg0[%get3A_222, %get3A_223] : memref<100x4xi32, #tpu.memory_space<smem>>
      %get3A_225 = arith.index_cast %add3A_221 : i32 to index
      %get3A_226 = arith.constant 1 : index
      %get3A_227 = memref.load %arg0[%get3A_225, %get3A_226] : memref<100x4xi32, #tpu.memory_space<smem>>
      %get3A_228 = arith.index_cast %add3A_221 : i32 to index
      %get3A_229 = arith.constant 2 : index
      %get3A_230 = memref.load %arg0[%get3A_228, %get3A_229] : memref<100x4xi32, #tpu.memory_space<smem>>
      %sub3A_231 = arith.subi %get3A_230, %get3A_224 : i32
      %add3A_232 = arith.constant 1 : i32
      %add3A_233 = arith.addi %sub3A_231, %add3A_232 : i32
      %max3A_234 = arith.constant 1 : i32
      %max3A_235 = arith.maxsi %add3A_233, %max3A_234 : i32
      %get3A_236 = arith.index_cast %add3A_221 : i32 to index
      %get3A_237 = arith.constant 3 : index
      %get3A_238 = memref.load %arg0[%get3A_236, %get3A_237] : memref<100x4xi32, #tpu.memory_space<smem>>
      %sub3A_239 = arith.subi %get3A_238, %get3A_227 : i32
      %add3A_240 = arith.constant 1 : i32
      %add3A_241 = arith.addi %sub3A_239, %add3A_240 : i32
      %max3A_242 = arith.constant 1 : i32
      %max3A_243 = arith.maxsi %add3A_241, %max3A_242 : i32
      %sub3A_244 = arith.constant 1 : i32
      %sub3A_245 = arith.subi %max3A_235, %sub3A_244 : i32
      %get3A_246 = arith.index_cast %sub3A_245 : i32 to index
      %get3A_247 = arith.constant 0 : index
      %get3A_248 = arith.constant 0 : index
      %get3A_249 = vector.load %arg2[%get3A_246, %get3A_247, %get3A_248] : memref<80x80x28xf32, #tpu.memory_space<vmem>>, vector<1x80x28xf32>
      %get3A_250 = vector.shape_cast %get3A_249 : vector<1x80x28xf32> to vector<80x28xf32>
      %sub3A_251 = arith.constant 1 : i32
      %sub3A_252 = arith.subi %max3A_243, %sub3A_251 : i32
      %get3A_253 = arith.index_cast %sub3A_252 : i32 to index
      %get3A_254 = arith.constant 0 : index
      %get3A_255 = arith.constant 0 : index
      %get3A_256 = vector.load %arg2[%get3A_253, %get3A_254, %get3A_255] : memref<80x80x28xf32, #tpu.memory_space<vmem>>, vector<1x80x28xf32>
      %get3A_257 = vector.shape_cast %get3A_256 : vector<1x80x28xf32> to vector<80x28xf32>
      %get3A_258 = arith.index_cast %add3A_221 : i32 to index
      %get3A_259 = arith.constant 0 : index
      %get3A_260 = arith.constant 0 : index
      %get3A_261 = vector.load %arg1[%get3A_258, %get3A_259, %get3A_260] : memref<100x28x28xf32, #tpu.memory_space<vmem>>, vector<1x28x28xf32>
      %get3A_262 = vector.shape_cast %get3A_261 : vector<1x28x28xf32> to vector<28x28xf32>
      %dot_general3A_263 = arith.constant dense<0.000000e+00> : vector<80x28xf32>
      %dot_general3A_264 = tpu.matmul %get3A_250, %get3A_262, %dot_general3A_263 {dimension_numbers = #tpu.dot_dimension_numbers<[1], [0], [0], [1], [0, 0, 1, 1], [], []>, precision = #tpu.contract_precision<fp32>, transpose_lhs_hint = false} : vector<80x28xf32>, vector<28x28xf32>, vector<80x28xf32> -> vector<80x28xf32>
      %dot_general3A_265 = arith.constant dense<0.000000e+00> : vector<80x80xf32>
      %dot_general3A_266 = tpu.matmul %dot_general3A_264, %get3A_257, %dot_general3A_265 {dimension_numbers = #tpu.dot_dimension_numbers<[1], [1], [0], [0], [0, 0, 1, 0], [], []>, precision = #tpu.contract_precision<fp32>, transpose_lhs_hint = false} : vector<80x28xf32>, vector<80x28xf32>, vector<80x80xf32> -> vector<80x80xf32>
      %iota3A_267 = tpu.iota {dimensions = array<i32: 0>} : vector<80x80xi32>
      %iota3A_268 = tpu.iota {dimensions = array<i32: 1>} : vector<80x80xi32>
      %lt3A_269 = vector.broadcast %max3A_235 : i32 to vector<80x80xi32>
      %lt3A_270 = arith.cmpi slt, %iota3A_267, %lt3A_269 : vector<80x80xi32>
      %lt3A_271 = vector.broadcast %max3A_243 : i32 to vector<80x80xi32>
      %lt3A_272 = arith.cmpi slt, %iota3A_268, %lt3A_271 : vector<80x80xi32>
      %and3A_273 = arith.andi %lt3A_270, %lt3A_272 : vector<80x80xi1>
      %logistic3A_274 = arith.negf %dot_general3A_266 : vector<80x80xf32>
      %logistic3A_275 = math.exp %logistic3A_274 : vector<80x80xf32>
      %logistic3A_276 = arith.constant 1.000000e+00 : f32
      %logistic3A_277 = vector.broadcast %logistic3A_276 : f32 to vector<80x80xf32>
      %logistic3A_278 = arith.addf %logistic3A_277, %logistic3A_275 : vector<80x80xf32>
      %logistic3A_279 = arith.divf %logistic3A_277, %logistic3A_278 : vector<80x80xf32>
      %jit3A_280 = arith.constant 0.000000e+00 : f32
      %broadcast_in_dim3A_281 = vector.broadcast %jit3A_280 : f32 to vector<80x80xf32>
      %select_n3A_282 = arith.select %and3A_273, %logistic3A_279, %broadcast_in_dim3A_281 : vector<80x80xi1>, vector<80x80xf32>
      %iota3A_283 = tpu.iota {dimensions = array<i32: 0>} : vector<80x384xi32>
      %iota3A_284 = tpu.iota {dimensions = array<i32: 1>} : vector<80x384xi32>
      %sub3A_285 = vector.broadcast %get3A_224 : i32 to vector<80x384xi32>
      %sub3A_286 = arith.subi %iota3A_284, %sub3A_285 : vector<80x384xi32>
      %eq3A_287 = arith.cmpi eq, %sub3A_286, %iota3A_283 : vector<80x384xi32>
      %jit3A_288 = arith.constant 1.000000e+00 : f32
      %jit3A_289 = arith.constant 0.000000e+00 : f32
      %broadcast_in_dim3A_290 = vector.broadcast %jit3A_288 : f32 to vector<80x384xf32>
      %broadcast_in_dim3A_291 = vector.broadcast %jit3A_289 : f32 to vector<80x384xf32>
      %select_n3A_292 = arith.select %eq3A_287, %broadcast_in_dim3A_290, %broadcast_in_dim3A_291 : vector<80x384xi1>, vector<80x384xf32>
      %dot_general3A_293 = arith.constant dense<0.000000e+00> : vector<80x384xf32>
      %dot_general3A_294 = tpu.matmul %select_n3A_282, %select_n3A_292, %dot_general3A_293 {dimension_numbers = #tpu.dot_dimension_numbers<[1], [0], [0], [1], [0, 0, 1, 1], [], []>, precision = #tpu.contract_precision<fp32>, transpose_lhs_hint = false} : vector<80x80xf32>, vector<80x384xf32>, vector<80x384xf32> -> vector<80x384xf32>
      %rem3A_295 = arith.constant 8 : i32
      %rem3A_296 = arith.remsi %get3A_227, %rem3A_295 : i32
      %sub3A_297 = arith.subi %get3A_227, %rem3A_296 : i32
      %multiple_of3A_298 = tpu.assume_multiple %sub3A_297, 8 : i32
      %broadcast_in_dim3A_299 = arith.constant 0.000000e+00 : f32
      %broadcast_in_dim3A_300 = vector.broadcast %broadcast_in_dim3A_299 : f32 to vector<8x384xf32>
      %concatenate3A_301 = tpu.concatenate %dot_general3A_294, %broadcast_in_dim3A_300 in 0 : vector<80x384xf32>, vector<8x384xf32> -> vector<88x384xf32>
      %roll3A_302 = tpu.dynamic_rotate %concatenate3A_301 by %rem3A_296 dim 0 : vector<88x384xf32>, i32 -> vector<88x384xf32>
      %get3A_303 = arith.constant 2 : index
      %get3A_304 = arith.index_cast %multiple_of3A_298 : i32 to index
      %get3A_305 = arith.constant 0 : index
      %get3A_306 = vector.load %arg4[%get3A_303, %get3A_304, %get3A_305] : memref<4x384x384xf32, #tpu.memory_space<vmem>>, vector<1x88x384xf32>
      %get3A_307 = vector.shape_cast %get3A_306 : vector<1x88x384xf32> to vector<88x384xf32>
      %add3A_308 = arith.constant 1.000000e+00 : f32
      %add3A_309 = vector.broadcast %add3A_308 : f32 to vector<88x384xf32>
      %add3A_310 = arith.addf %add3A_309, %roll3A_302 : vector<88x384xf32>
      %mul3A_311 = arith.mulf %get3A_307, %add3A_310 : vector<88x384xf32>
      %swap3A_312 = arith.constant 2 : index
      %swap3A_313 = arith.index_cast %multiple_of3A_298 : i32 to index
      %swap3A_314 = arith.constant 0 : index
      %swap3A_315 = vector.load %arg4[%swap3A_312, %swap3A_313, %swap3A_314] : memref<4x384x384xf32, #tpu.memory_space<vmem>>, vector<1x88x384xf32>
      %swap3A_316 = vector.shape_cast %swap3A_315 : vector<1x88x384xf32> to vector<88x384xf32>
      %swap3A_317 = vector.shape_cast %mul3A_311 : vector<88x384xf32> to vector<1x88x384xf32>
      tpu.vector_store %arg4[%swap3A_312, %swap3A_313, %swap3A_314], %swap3A_317 {strides = array<i32>} : memref<4x384x384xf32, #tpu.memory_space<vmem>>, vector<1x88x384xf32>,
      %mul3A_318 = arith.constant 4 : i32
      %mul3A_319 = arith.muli %mul3A_318, %scan3A_32 : i32
      %add3A_320 = arith.constant 3 : i32
      %add3A_321 = arith.addi %mul3A_319, %add3A_320 : i32
      %get3A_322 = arith.index_cast %add3A_321 : i32 to index
      %get3A_323 = arith.constant 0 : index
      %get3A_324 = memref.load %arg0[%get3A_322, %get3A_323] : memref<100x4xi32, #tpu.memory_space<smem>>
      %get3A_325 = arith.index_cast %add3A_321 : i32 to index
      %get3A_326 = arith.constant 1 : index
      %get3A_327 = memref.load %arg0[%get3A_325, %get3A_326] : memref<100x4xi32, #tpu.memory_space<smem>>
      %get3A_328 = arith.index_cast %add3A_321 : i32 to index
      %get3A_329 = arith.constant 2 : index
      %get3A_330 = memref.load %arg0[%get3A_328, %get3A_329] : memref<100x4xi32, #tpu.memory_space<smem>>
      %sub3A_331 = arith.subi %get3A_330, %get3A_324 : i32
      %add3A_332 = arith.constant 1 : i32
      %add3A_333 = arith.addi %sub3A_331, %add3A_332 : i32
      %max3A_334 = arith.constant 1 : i32
      %max3A_335 = arith.maxsi %add3A_333, %max3A_334 : i32
      %get3A_336 = arith.index_cast %add3A_321 : i32 to index
      %get3A_337 = arith.constant 3 : index
      %get3A_338 = memref.load %arg0[%get3A_336, %get3A_337] : memref<100x4xi32, #tpu.memory_space<smem>>
      %sub3A_339 = arith.subi %get3A_338, %get3A_327 : i32
      %add3A_340 = arith.constant 1 : i32
      %add3A_341 = arith.addi %sub3A_339, %add3A_340 : i32
      %max3A_342 = arith.constant 1 : i32
      %max3A_343 = arith.maxsi %add3A_341, %max3A_342 : i32
      %sub3A_344 = arith.constant 1 : i32
      %sub3A_345 = arith.subi %max3A_335, %sub3A_344 : i32
      %get3A_346 = arith.index_cast %sub3A_345 : i32 to index
      %get3A_347 = arith.constant 0 : index
      %get3A_348 = arith.constant 0 : index
      %get3A_349 = vector.load %arg2[%get3A_346, %get3A_347, %get3A_348] : memref<80x80x28xf32, #tpu.memory_space<vmem>>, vector<1x80x28xf32>
      %get3A_350 = vector.shape_cast %get3A_349 : vector<1x80x28xf32> to vector<80x28xf32>
      %sub3A_351 = arith.constant 1 : i32
      %sub3A_352 = arith.subi %max3A_343, %sub3A_351 : i32
      %get3A_353 = arith.index_cast %sub3A_352 : i32 to index
      %get3A_354 = arith.constant 0 : index
      %get3A_355 = arith.constant 0 : index
      %get3A_356 = vector.load %arg2[%get3A_353, %get3A_354, %get3A_355] : memref<80x80x28xf32, #tpu.memory_space<vmem>>, vector<1x80x28xf32>
      %get3A_357 = vector.shape_cast %get3A_356 : vector<1x80x28xf32> to vector<80x28xf32>
      %get3A_358 = arith.index_cast %add3A_321 : i32 to index
      %get3A_359 = arith.constant 0 : index
      %get3A_360 = arith.constant 0 : index
      %get3A_361 = vector.load %arg1[%get3A_358, %get3A_359, %get3A_360] : memref<100x28x28xf32, #tpu.memory_space<vmem>>, vector<1x28x28xf32>
      %get3A_362 = vector.shape_cast %get3A_361 : vector<1x28x28xf32> to vector<28x28xf32>
      %dot_general3A_363 = arith.constant dense<0.000000e+00> : vector<80x28xf32>
      %dot_general3A_364 = tpu.matmul %get3A_350, %get3A_362, %dot_general3A_363 {dimension_numbers = #tpu.dot_dimension_numbers<[1], [0], [0], [1], [0, 0, 1, 1], [], []>, precision = #tpu.contract_precision<fp32>, transpose_lhs_hint = false} : vector<80x28xf32>, vector<28x28xf32>, vector<80x28xf32> -> vector<80x28xf32>
      %dot_general3A_365 = arith.constant dense<0.000000e+00> : vector<80x80xf32>
      %dot_general3A_366 = tpu.matmul %dot_general3A_364, %get3A_357, %dot_general3A_365 {dimension_numbers = #tpu.dot_dimension_numbers<[1], [1], [0], [0], [0, 0, 1, 0], [], []>, precision = #tpu.contract_precision<fp32>, transpose_lhs_hint = false} : vector<80x28xf32>, vector<80x28xf32>, vector<80x80xf32> -> vector<80x80xf32>
      %iota3A_367 = tpu.iota {dimensions = array<i32: 0>} : vector<80x80xi32>
      %iota3A_368 = tpu.iota {dimensions = array<i32: 1>} : vector<80x80xi32>
      %lt3A_369 = vector.broadcast %max3A_335 : i32 to vector<80x80xi32>
      %lt3A_370 = arith.cmpi slt, %iota3A_367, %lt3A_369 : vector<80x80xi32>
      %lt3A_371 = vector.broadcast %max3A_343 : i32 to vector<80x80xi32>
      %lt3A_372 = arith.cmpi slt, %iota3A_368, %lt3A_371 : vector<80x80xi32>
      %and3A_373 = arith.andi %lt3A_370, %lt3A_372 : vector<80x80xi1>
      %logistic3A_374 = arith.negf %dot_general3A_366 : vector<80x80xf32>
      %logistic3A_375 = math.exp %logistic3A_374 : vector<80x80xf32>
      %logistic3A_376 = arith.constant 1.000000e+00 : f32
      %logistic3A_377 = vector.broadcast %logistic3A_376 : f32 to vector<80x80xf32>
      %logistic3A_378 = arith.addf %logistic3A_377, %logistic3A_375 : vector<80x80xf32>
      %logistic3A_379 = arith.divf %logistic3A_377, %logistic3A_378 : vector<80x80xf32>
      %jit3A_380 = arith.constant 0.000000e+00 : f32
      %broadcast_in_dim3A_381 = vector.broadcast %jit3A_380 : f32 to vector<80x80xf32>
      %select_n3A_382 = arith.select %and3A_373, %logistic3A_379, %broadcast_in_dim3A_381 : vector<80x80xi1>, vector<80x80xf32>
      %iota3A_383 = tpu.iota {dimensions = array<i32: 0>} : vector<80x384xi32>
      %iota3A_384 = tpu.iota {dimensions = array<i32: 1>} : vector<80x384xi32>
      %sub3A_385 = vector.broadcast %get3A_324 : i32 to vector<80x384xi32>
      %sub3A_386 = arith.subi %iota3A_384, %sub3A_385 : vector<80x384xi32>
      %eq3A_387 = arith.cmpi eq, %sub3A_386, %iota3A_383 : vector<80x384xi32>
      %jit3A_388 = arith.constant 1.000000e+00 : f32
      %jit3A_389 = arith.constant 0.000000e+00 : f32
      %broadcast_in_dim3A_390 = vector.broadcast %jit3A_388 : f32 to vector<80x384xf32>
      %broadcast_in_dim3A_391 = vector.broadcast %jit3A_389 : f32 to vector<80x384xf32>
      %select_n3A_392 = arith.select %eq3A_387, %broadcast_in_dim3A_390, %broadcast_in_dim3A_391 : vector<80x384xi1>, vector<80x384xf32>
      %dot_general3A_393 = arith.constant dense<0.000000e+00> : vector<80x384xf32>
      %dot_general3A_394 = tpu.matmul %select_n3A_382, %select_n3A_392, %dot_general3A_393 {dimension_numbers = #tpu.dot_dimension_numbers<[1], [0], [0], [1], [0, 0, 1, 1], [], []>, precision = #tpu.contract_precision<fp32>, transpose_lhs_hint = false} : vector<80x80xf32>, vector<80x384xf32>, vector<80x384xf32> -> vector<80x384xf32>
      %rem3A_395 = arith.constant 8 : i32
      %rem3A_396 = arith.remsi %get3A_327, %rem3A_395 : i32
      %sub3A_397 = arith.subi %get3A_327, %rem3A_396 : i32
      %multiple_of3A_398 = tpu.assume_multiple %sub3A_397, 8 : i32
      %broadcast_in_dim3A_399 = arith.constant 0.000000e+00 : f32
      %broadcast_in_dim3A_400 = vector.broadcast %broadcast_in_dim3A_399 : f32 to vector<8x384xf32>
      %concatenate3A_401 = tpu.concatenate %dot_general3A_394, %broadcast_in_dim3A_400 in 0 : vector<80x384xf32>, vector<8x384xf32> -> vector<88x384xf32>
      %roll3A_402 = tpu.dynamic_rotate %concatenate3A_401 by %rem3A_396 dim 0 : vector<88x384xf32>, i32 -> vector<88x384xf32>
      %get3A_403 = arith.constant 3 : index
      %get3A_404 = arith.index_cast %multiple_of3A_398 : i32 to index
      %get3A_405 = arith.constant 0 : index
      %get3A_406 = vector.load %arg4[%get3A_403, %get3A_404, %get3A_405] : memref<4x384x384xf32, #tpu.memory_space<vmem>>, vector<1x88x384xf32>
      %get3A_407 = vector.shape_cast %get3A_406 : vector<1x88x384xf32> to vector<88x384xf32>
      %add3A_408 = arith.constant 1.000000e+00 : f32
      %add3A_409 = vector.broadcast %add3A_408 : f32 to vector<88x384xf32>
      %add3A_410 = arith.addf %add3A_409, %roll3A_402 : vector<88x384xf32>
      %mul3A_411 = arith.mulf %get3A_407, %add3A_410 : vector<88x384xf32>
      %swap3A_412 = arith.constant 3 : index
      %swap3A_413 = arith.index_cast %multiple_of3A_398 : i32 to index
      %swap3A_414 = arith.constant 0 : index
      %swap3A_415 = vector.load %arg4[%swap3A_412, %swap3A_413, %swap3A_414] : memref<4x384x384xf32, #tpu.memory_space<vmem>>, vector<1x88x384xf32>
      %swap3A_416 = vector.shape_cast %swap3A_415 : vector<1x88x384xf32> to vector<88x384xf32>
      %swap3A_417 = vector.shape_cast %mul3A_411 : vector<88x384xf32> to vector<1x88x384xf32>
      tpu.vector_store %arg4[%swap3A_412, %swap3A_413, %swap3A_414], %swap3A_417 {strides = array<i32>} : memref<4x384x384xf32, #tpu.memory_space<vmem>>, vector<1x88x384xf32>,
    }
    %scan3A_7 = arith.constant 25 : i32
    %get3A = arith.constant 0 : index
    %get3A_8 = arith.constant 0 : index
    %get3A_9 = arith.constant 0 : index
    %get3A_10 = vector.load %arg4[%get3A, %get3A_8, %get3A_9] : memref<4x384x384xf32, #tpu.memory_space<vmem>>, vector<1x384x384xf32>
    %get3A_11 = vector.shape_cast %get3A_10 : vector<1x384x384xf32> to vector<384x384xf32>
    %get3A_12 = arith.constant 1 : index
    %get3A_13 = arith.constant 0 : index
    %get3A_14 = arith.constant 0 : index
    %get3A_15 = vector.load %arg4[%get3A_12, %get3A_13, %get3A_14] : memref<4x384x384xf32, #tpu.memory_space<vmem>>, vector<1x384x384xf32>
    %get3A_16 = vector.shape_cast %get3A_15 : vector<1x384x384xf32> to vector<384x384xf32>
    %mul3A = arith.mulf %get3A_11, %get3A_16 : vector<384x384xf32>
    %get3A_17 = arith.constant 2 : index
    %get3A_18 = arith.constant 0 : index
    %get3A_19 = arith.constant 0 : index
    %get3A_20 = vector.load %arg4[%get3A_17, %get3A_18, %get3A_19] : memref<4x384x384xf32, #tpu.memory_space<vmem>>, vector<1x384x384xf32>
    %get3A_21 = vector.shape_cast %get3A_20 : vector<1x384x384xf32> to vector<384x384xf32>
    %get3A_22 = arith.constant 3 : index
    %get3A_23 = arith.constant 0 : index
    %get3A_24 = arith.constant 0 : index
    %get3A_25 = vector.load %arg4[%get3A_22, %get3A_23, %get3A_24] : memref<4x384x384xf32, #tpu.memory_space<vmem>>, vector<1x384x384xf32>
    %get3A_26 = vector.shape_cast %get3A_25 : vector<1x384x384xf32> to vector<384x384xf32>
    %mul3A_27 = arith.mulf %get3A_21, %get3A_26 : vector<384x384xf32>
    %mul3A_28 = arith.mulf %mul3A, %mul3A_27 : vector<384x384xf32>
    %swap3A_29 = arith.constant 0 : index
    %swap3A_30 = arith.constant 0 : index
    %swap3A_31 = vector.load %arg3[%swap3A_29, %swap3A_30] : memref<384x384xf32, #tpu.memory_space<vmem>>, vector<384x384xf32>
    tpu.vector_store %arg3[%swap3A_29, %swap3A_30], %mul3A_28 {strides = array<i32>} : memref<384x384xf32, #tpu.memory_space<vmem>>, vector<384x384xf32>,
    return
  }
}

module attributes {stable_mosaic.version = 14 : i64} {
  func.func @_conv_kernel(%arg0: i32, %arg1: memref<81x6144xf32, #tpu.memory_space<vmem>>, %arg2: memref<1x6144xf32, #tpu.memory_space<vmem>>, %arg3: memref<3x81x243xbf16, #tpu.memory_space<vmem>>, %arg4: memref<81x1xf32, #tpu.memory_space<vmem>>, %arg5: memref<81x81xbf16, #tpu.memory_space<vmem>>, %arg6: memref<81x1xf32, #tpu.memory_space<vmem>>, %arg7: memref<81x16x384xf32, #tpu.memory_space<vmem>>, %arg8: memref<2x243x9728xbf16, #tpu.memory_space<vmem>>) attributes {dimension_semantics = [#tpu.dimension_semantics<arbitrary>], iteration_bounds = array<i64: 25>, scalar_prefetch = 0 : i64, scratch_operands = 1 : i64, tpu.core_type = #tpu.core_type<tc>, window_params = [{transform_indices = @transform_0, window_bounds = array<i64: 81, 6144>}, {transform_indices = @transform_1, window_bounds = array<i64: 1, 6144>}, {pipeline_mode = #tpu.pipeline_mode<synchronous>, transform_indices = @transform_2, window_bounds = array<i64: 3, 81, 243>}, {pipeline_mode = #tpu.pipeline_mode<synchronous>, transform_indices = @transform_3, window_bounds = array<i64: 81, 1>}, {pipeline_mode = #tpu.pipeline_mode<synchronous>, transform_indices = @transform_4, window_bounds = array<i64: 81, 81>}, {pipeline_mode = #tpu.pipeline_mode<synchronous>, transform_indices = @transform_5, window_bounds = array<i64: 81, 1>}, {transform_indices = @transform_6, window_bounds = array<i64: 81, 16, 384>}]} {
    %rem3A = arith.constant 2 : i32
    %rem3A_0 = arith.remsi %arg0, %rem3A : i32
    %eq3A = arith.constant 0 : i32
    %eq3A_1 = arith.cmpi eq, %arg0, %eq3A : i32
    %convert_element_type3A = arith.extui %eq3A_1 : i1 to i32
    %cond3A = arith.constant 0 : i32
    %cond3A_2 = arith.cmpi ne, %convert_element_type3A, %cond3A : i32
    scf.if %cond3A_2 {
      %broadcast_in_dim3A_135 = arith.constant 0.000000e+00 : bf16
      %broadcast_in_dim3A_136 = vector.broadcast %broadcast_in_dim3A_135 : bf16 to vector<2x243x9728xbf16>
      %swap3A_137 = arith.constant 0 : index
      %swap3A_138 = arith.constant 0 : index
      %swap3A_139 = arith.constant 0 : index
      %swap3A_140 = vector.load %arg8[%swap3A_137, %swap3A_138, %swap3A_139] : memref<2x243x9728xbf16, #tpu.memory_space<vmem>>, vector<2x243x9728xbf16>
      tpu.vector_store %arg8[%swap3A_137, %swap3A_138, %swap3A_139], %broadcast_in_dim3A_136 {strides = array<i32>} : memref<2x243x9728xbf16, #tpu.memory_space<vmem>>, vector<2x243x9728xbf16>,
    } else {
    }
    %get3A = arith.constant 0 : index
    %get3A_3 = arith.constant 0 : index
    %get3A_4 = vector.load %arg1[%get3A, %get3A_3] : memref<81x6144xf32, #tpu.memory_space<vmem>>, vector<81x6144xf32>
    %get3A_5 = arith.constant 0 : index
    %get3A_6 = arith.constant 0 : index
    %get3A_7 = vector.load %arg2[%get3A_5, %get3A_6] : memref<1x6144xf32, #tpu.memory_space<vmem>>, vector<1x6144xf32>
    %mul3A = vector.broadcast %get3A_7 : vector<1x6144xf32> to vector<81x6144xf32>
    %mul3A_8 = arith.mulf %get3A_4, %mul3A : vector<81x6144xf32>
    %max3A = arith.constant 0.000000e+00 : f32
    %max3A_9 = vector.broadcast %max3A : f32 to vector<81x6144xf32>
    %max3A_10 = arith.maximumf %mul3A_8, %max3A_9 : vector<81x6144xf32>
    %lt3A = arith.constant 24 : i32
    %lt3A_11 = arith.cmpi slt, %arg0, %lt3A : i32
    %jit3A = arith.constant 0.000000e+00 : f32
    %broadcast_in_dim3A = vector.broadcast %jit3A : f32 to vector<81x6144xf32>
    %select_n3A = arith.select %lt3A_11, %max3A_10, %broadcast_in_dim3A : vector<81x6144xf32>
    %convert_element_type3A_12 = arith.truncf %select_n3A : vector<81x6144xf32> to vector<81x6144xbf16>
    %slice3A = vector.extract_strided_slice %convert_element_type3A_12 {offsets = [0, 0], sizes = [81, 384], strides = [1, 1]} : vector<81x6144xbf16> to vector<81x384xbf16>
    %swap3A = arith.index_cast %rem3A_0 : i32 to index
    %swap3A_13 = arith.constant 0 : index
    %swap3A_14 = arith.constant 512 : index
    %swap3A_15 = vector.load %arg8[%swap3A, %swap3A_13, %swap3A_14] : memref<2x243x9728xbf16, #tpu.memory_space<vmem>>, vector<1x81x384xbf16>
    %swap3A_16 = vector.shape_cast %swap3A_15 : vector<1x81x384xbf16> to vector<81x384xbf16>
    %swap3A_17 = vector.shape_cast %slice3A : vector<81x384xbf16> to vector<1x81x384xbf16>
    tpu.vector_store %arg8[%swap3A, %swap3A_13, %swap3A_14], %swap3A_17 {strides = array<i32>} : memref<2x243x9728xbf16, #tpu.memory_space<vmem>>, vector<1x81x384xbf16>,
    %slice3A_18 = vector.extract_strided_slice %convert_element_type3A_12 {offsets = [0, 384], sizes = [81, 384], strides = [1, 1]} : vector<81x6144xbf16> to vector<81x384xbf16>
    %swap3A_19 = arith.index_cast %rem3A_0 : i32 to index
    %swap3A_20 = arith.constant 0 : index
    %swap3A_21 = arith.constant 1024 : index
    %swap3A_22 = vector.load %arg8[%swap3A_19, %swap3A_20, %swap3A_21] : memref<2x243x9728xbf16, #tpu.memory_space<vmem>>, vector<1x81x384xbf16>
    %swap3A_23 = vector.shape_cast %swap3A_22 : vector<1x81x384xbf16> to vector<81x384xbf16>
    %swap3A_24 = vector.shape_cast %slice3A_18 : vector<81x384xbf16> to vector<1x81x384xbf16>
    tpu.vector_store %arg8[%swap3A_19, %swap3A_20, %swap3A_21], %swap3A_24 {strides = array<i32>} : memref<2x243x9728xbf16, #tpu.memory_space<vmem>>, vector<1x81x384xbf16>,
    %slice3A_25 = vector.extract_strided_slice %convert_element_type3A_12 {offsets = [0, 768], sizes = [81, 384], strides = [1, 1]} : vector<81x6144xbf16> to vector<81x384xbf16>
    %swap3A_26 = arith.index_cast %rem3A_0 : i32 to index
    %swap3A_27 = arith.constant 0 : index
    %swap3A_28 = arith.constant 1536 : index
    %swap3A_29 = vector.load %arg8[%swap3A_26, %swap3A_27, %swap3A_28] : memref<2x243x9728xbf16, #tpu.memory_space<vmem>>, vector<1x81x384xbf16>
    %swap3A_30 = vector.shape_cast %swap3A_29 : vector<1x81x384xbf16> to vector<81x384xbf16>
    %swap3A_31 = vector.shape_cast %slice3A_25 : vector<81x384xbf16> to vector<1x81x384xbf16>
    tpu.vector_store %arg8[%swap3A_26, %swap3A_27, %swap3A_28], %swap3A_31 {strides = array<i32>} : memref<2x243x9728xbf16, #tpu.memory_space<vmem>>, vector<1x81x384xbf16>,
    %slice3A_32 = vector.extract_strided_slice %convert_element_type3A_12 {offsets = [0, 1152], sizes = [81, 384], strides = [1, 1]} : vector<81x6144xbf16> to vector<81x384xbf16>
    %swap3A_33 = arith.index_cast %rem3A_0 : i32 to index
    %swap3A_34 = arith.constant 0 : index
    %swap3A_35 = arith.constant 2048 : index
    %swap3A_36 = vector.load %arg8[%swap3A_33, %swap3A_34, %swap3A_35] : memref<2x243x9728xbf16, #tpu.memory_space<vmem>>, vector<1x81x384xbf16>
    %swap3A_37 = vector.shape_cast %swap3A_36 : vector<1x81x384xbf16> to vector<81x384xbf16>
    %swap3A_38 = vector.shape_cast %slice3A_32 : vector<81x384xbf16> to vector<1x81x384xbf16>
    tpu.vector_store %arg8[%swap3A_33, %swap3A_34, %swap3A_35], %swap3A_38 {strides = array<i32>} : memref<2x243x9728xbf16, #tpu.memory_space<vmem>>, vector<1x81x384xbf16>,
    %slice3A_39 = vector.extract_strided_slice %convert_element_type3A_12 {offsets = [0, 1536], sizes = [81, 384], strides = [1, 1]} : vector<81x6144xbf16> to vector<81x384xbf16>
    %swap3A_40 = arith.index_cast %rem3A_0 : i32 to index
    %swap3A_41 = arith.constant 0 : index
    %swap3A_42 = arith.constant 2560 : index
    %swap3A_43 = vector.load %arg8[%swap3A_40, %swap3A_41, %swap3A_42] : memref<2x243x9728xbf16, #tpu.memory_space<vmem>>, vector<1x81x384xbf16>
    %swap3A_44 = vector.shape_cast %swap3A_43 : vector<1x81x384xbf16> to vector<81x384xbf16>
    %swap3A_45 = vector.shape_cast %slice3A_39 : vector<81x384xbf16> to vector<1x81x384xbf16>
    tpu.vector_store %arg8[%swap3A_40, %swap3A_41, %swap3A_42], %swap3A_45 {strides = array<i32>} : memref<2x243x9728xbf16, #tpu.memory_space<vmem>>, vector<1x81x384xbf16>,
    %slice3A_46 = vector.extract_strided_slice %convert_element_type3A_12 {offsets = [0, 1920], sizes = [81, 384], strides = [1, 1]} : vector<81x6144xbf16> to vector<81x384xbf16>
    %swap3A_47 = arith.index_cast %rem3A_0 : i32 to index
    %swap3A_48 = arith.constant 0 : index
    %swap3A_49 = arith.constant 3072 : index
    %swap3A_50 = vector.load %arg8[%swap3A_47, %swap3A_48, %swap3A_49] : memref<2x243x9728xbf16, #tpu.memory_space<vmem>>, vector<1x81x384xbf16>
    %swap3A_51 = vector.shape_cast %swap3A_50 : vector<1x81x384xbf16> to vector<81x384xbf16>
    %swap3A_52 = vector.shape_cast %slice3A_46 : vector<81x384xbf16> to vector<1x81x384xbf16>
    tpu.vector_store %arg8[%swap3A_47, %swap3A_48, %swap3A_49], %swap3A_52 {strides = array<i32>} : memref<2x243x9728xbf16, #tpu.memory_space<vmem>>, vector<1x81x384xbf16>,
    %slice3A_53 = vector.extract_strided_slice %convert_element_type3A_12 {offsets = [0, 2304], sizes = [81, 384], strides = [1, 1]} : vector<81x6144xbf16> to vector<81x384xbf16>
    %swap3A_54 = arith.index_cast %rem3A_0 : i32 to index
    %swap3A_55 = arith.constant 0 : index
    %swap3A_56 = arith.constant 3584 : index
    %swap3A_57 = vector.load %arg8[%swap3A_54, %swap3A_55, %swap3A_56] : memref<2x243x9728xbf16, #tpu.memory_space<vmem>>, vector<1x81x384xbf16>
    %swap3A_58 = vector.shape_cast %swap3A_57 : vector<1x81x384xbf16> to vector<81x384xbf16>
    %swap3A_59 = vector.shape_cast %slice3A_53 : vector<81x384xbf16> to vector<1x81x384xbf16>
    tpu.vector_store %arg8[%swap3A_54, %swap3A_55, %swap3A_56], %swap3A_59 {strides = array<i32>} : memref<2x243x9728xbf16, #tpu.memory_space<vmem>>, vector<1x81x384xbf16>,
    %slice3A_60 = vector.extract_strided_slice %convert_element_type3A_12 {offsets = [0, 2688], sizes = [81, 384], strides = [1, 1]} : vector<81x6144xbf16> to vector<81x384xbf16>
    %swap3A_61 = arith.index_cast %rem3A_0 : i32 to index
    %swap3A_62 = arith.constant 0 : index
    %swap3A_63 = arith.constant 4096 : index
    %swap3A_64 = vector.load %arg8[%swap3A_61, %swap3A_62, %swap3A_63] : memref<2x243x9728xbf16, #tpu.memory_space<vmem>>, vector<1x81x384xbf16>
    %swap3A_65 = vector.shape_cast %swap3A_64 : vector<1x81x384xbf16> to vector<81x384xbf16>
    %swap3A_66 = vector.shape_cast %slice3A_60 : vector<81x384xbf16> to vector<1x81x384xbf16>
    tpu.vector_store %arg8[%swap3A_61, %swap3A_62, %swap3A_63], %swap3A_66 {strides = array<i32>} : memref<2x243x9728xbf16, #tpu.memory_space<vmem>>, vector<1x81x384xbf16>,
    %slice3A_67 = vector.extract_strided_slice %convert_element_type3A_12 {offsets = [0, 3072], sizes = [81, 384], strides = [1, 1]} : vector<81x6144xbf16> to vector<81x384xbf16>
    %swap3A_68 = arith.index_cast %rem3A_0 : i32 to index
    %swap3A_69 = arith.constant 0 : index
    %swap3A_70 = arith.constant 4608 : index
    %swap3A_71 = vector.load %arg8[%swap3A_68, %swap3A_69, %swap3A_70] : memref<2x243x9728xbf16, #tpu.memory_space<vmem>>, vector<1x81x384xbf16>
    %swap3A_72 = vector.shape_cast %swap3A_71 : vector<1x81x384xbf16> to vector<81x384xbf16>
    %swap3A_73 = vector.shape_cast %slice3A_67 : vector<81x384xbf16> to vector<1x81x384xbf16>
    tpu.vector_store %arg8[%swap3A_68, %swap3A_69, %swap3A_70], %swap3A_73 {strides = array<i32>} : memref<2x243x9728xbf16, #tpu.memory_space<vmem>>, vector<1x81x384xbf16>,
    %slice3A_74 = vector.extract_strided_slice %convert_element_type3A_12 {offsets = [0, 3456], sizes = [81, 384], strides = [1, 1]} : vector<81x6144xbf16> to vector<81x384xbf16>
    %swap3A_75 = arith.index_cast %rem3A_0 : i32 to index
    %swap3A_76 = arith.constant 0 : index
    %swap3A_77 = arith.constant 5120 : index
    %swap3A_78 = vector.load %arg8[%swap3A_75, %swap3A_76, %swap3A_77] : memref<2x243x9728xbf16, #tpu.memory_space<vmem>>, vector<1x81x384xbf16>
    %swap3A_79 = vector.shape_cast %swap3A_78 : vector<1x81x384xbf16> to vector<81x384xbf16>
    %swap3A_80 = vector.shape_cast %slice3A_74 : vector<81x384xbf16> to vector<1x81x384xbf16>
    tpu.vector_store %arg8[%swap3A_75, %swap3A_76, %swap3A_77], %swap3A_80 {strides = array<i32>} : memref<2x243x9728xbf16, #tpu.memory_space<vmem>>, vector<1x81x384xbf16>,
    %slice3A_81 = vector.extract_strided_slice %convert_element_type3A_12 {offsets = [0, 3840], sizes = [81, 384], strides = [1, 1]} : vector<81x6144xbf16> to vector<81x384xbf16>
    %swap3A_82 = arith.index_cast %rem3A_0 : i32 to index
    %swap3A_83 = arith.constant 0 : index
    %swap3A_84 = arith.constant 5632 : index
    %swap3A_85 = vector.load %arg8[%swap3A_82, %swap3A_83, %swap3A_84] : memref<2x243x9728xbf16, #tpu.memory_space<vmem>>, vector<1x81x384xbf16>
    %swap3A_86 = vector.shape_cast %swap3A_85 : vector<1x81x384xbf16> to vector<81x384xbf16>
    %swap3A_87 = vector.shape_cast %slice3A_81 : vector<81x384xbf16> to vector<1x81x384xbf16>
    tpu.vector_store %arg8[%swap3A_82, %swap3A_83, %swap3A_84], %swap3A_87 {strides = array<i32>} : memref<2x243x9728xbf16, #tpu.memory_space<vmem>>, vector<1x81x384xbf16>,
    %slice3A_88 = vector.extract_strided_slice %convert_element_type3A_12 {offsets = [0, 4224], sizes = [81, 384], strides = [1, 1]} : vector<81x6144xbf16> to vector<81x384xbf16>
    %swap3A_89 = arith.index_cast %rem3A_0 : i32 to index
    %swap3A_90 = arith.constant 0 : index
    %swap3A_91 = arith.constant 6144 : index
    %swap3A_92 = vector.load %arg8[%swap3A_89, %swap3A_90, %swap3A_91] : memref<2x243x9728xbf16, #tpu.memory_space<vmem>>, vector<1x81x384xbf16>
    %swap3A_93 = vector.shape_cast %swap3A_92 : vector<1x81x384xbf16> to vector<81x384xbf16>
    %swap3A_94 = vector.shape_cast %slice3A_88 : vector<81x384xbf16> to vector<1x81x384xbf16>
    tpu.vector_store %arg8[%swap3A_89, %swap3A_90, %swap3A_91], %swap3A_94 {strides = array<i32>} : memref<2x243x9728xbf16, #tpu.memory_space<vmem>>, vector<1x81x384xbf16>,
    %slice3A_95 = vector.extract_strided_slice %convert_element_type3A_12 {offsets = [0, 4608], sizes = [81, 384], strides = [1, 1]} : vector<81x6144xbf16> to vector<81x384xbf16>
    %swap3A_96 = arith.index_cast %rem3A_0 : i32 to index
    %swap3A_97 = arith.constant 0 : index
    %swap3A_98 = arith.constant 6656 : index
    %swap3A_99 = vector.load %arg8[%swap3A_96, %swap3A_97, %swap3A_98] : memref<2x243x9728xbf16, #tpu.memory_space<vmem>>, vector<1x81x384xbf16>
    %swap3A_100 = vector.shape_cast %swap3A_99 : vector<1x81x384xbf16> to vector<81x384xbf16>
    %swap3A_101 = vector.shape_cast %slice3A_95 : vector<81x384xbf16> to vector<1x81x384xbf16>
    tpu.vector_store %arg8[%swap3A_96, %swap3A_97, %swap3A_98], %swap3A_101 {strides = array<i32>} : memref<2x243x9728xbf16, #tpu.memory_space<vmem>>, vector<1x81x384xbf16>,
    %slice3A_102 = vector.extract_strided_slice %convert_element_type3A_12 {offsets = [0, 4992], sizes = [81, 384], strides = [1, 1]} : vector<81x6144xbf16> to vector<81x384xbf16>
    %swap3A_103 = arith.index_cast %rem3A_0 : i32 to index
    %swap3A_104 = arith.constant 0 : index
    %swap3A_105 = arith.constant 7168 : index
    %swap3A_106 = vector.load %arg8[%swap3A_103, %swap3A_104, %swap3A_105] : memref<2x243x9728xbf16, #tpu.memory_space<vmem>>, vector<1x81x384xbf16>
    %swap3A_107 = vector.shape_cast %swap3A_106 : vector<1x81x384xbf16> to vector<81x384xbf16>
    %swap3A_108 = vector.shape_cast %slice3A_102 : vector<81x384xbf16> to vector<1x81x384xbf16>
    tpu.vector_store %arg8[%swap3A_103, %swap3A_104, %swap3A_105], %swap3A_108 {strides = array<i32>} : memref<2x243x9728xbf16, #tpu.memory_space<vmem>>, vector<1x81x384xbf16>,
    %slice3A_109 = vector.extract_strided_slice %convert_element_type3A_12 {offsets = [0, 5376], sizes = [81, 384], strides = [1, 1]} : vector<81x6144xbf16> to vector<81x384xbf16>
    %swap3A_110 = arith.index_cast %rem3A_0 : i32 to index
    %swap3A_111 = arith.constant 0 : index
    %swap3A_112 = arith.constant 7680 : index
    %swap3A_113 = vector.load %arg8[%swap3A_110, %swap3A_111, %swap3A_112] : memref<2x243x9728xbf16, #tpu.memory_space<vmem>>, vector<1x81x384xbf16>
    %swap3A_114 = vector.shape_cast %swap3A_113 : vector<1x81x384xbf16> to vector<81x384xbf16>
    %swap3A_115 = vector.shape_cast %slice3A_109 : vector<81x384xbf16> to vector<1x81x384xbf16>
    tpu.vector_store %arg8[%swap3A_110, %swap3A_111, %swap3A_112], %swap3A_115 {strides = array<i32>} : memref<2x243x9728xbf16, #tpu.memory_space<vmem>>, vector<1x81x384xbf16>,
    %slice3A_116 = vector.extract_strided_slice %convert_element_type3A_12 {offsets = [0, 5760], sizes = [81, 384], strides = [1, 1]} : vector<81x6144xbf16> to vector<81x384xbf16>
    %swap3A_117 = arith.index_cast %rem3A_0 : i32 to index
    %swap3A_118 = arith.constant 0 : index
    %swap3A_119 = arith.constant 8192 : index
    %swap3A_120 = vector.load %arg8[%swap3A_117, %swap3A_118, %swap3A_119] : memref<2x243x9728xbf16, #tpu.memory_space<vmem>>, vector<1x81x384xbf16>
    %swap3A_121 = vector.shape_cast %swap3A_120 : vector<1x81x384xbf16> to vector<81x384xbf16>
    %swap3A_122 = vector.shape_cast %slice3A_116 : vector<81x384xbf16> to vector<1x81x384xbf16>
    tpu.vector_store %arg8[%swap3A_117, %swap3A_118, %swap3A_119], %swap3A_122 {strides = array<i32>} : memref<2x243x9728xbf16, #tpu.memory_space<vmem>>, vector<1x81x384xbf16>,
    %ge3A = arith.constant 1 : i32
    %ge3A_123 = arith.cmpi sge, %arg0, %ge3A : i32
    %convert_element_type3A_124 = arith.extui %ge3A_123 : i1 to i32
    %cond3A_125 = arith.constant 0 : i32
    %cond3A_126 = arith.cmpi ne, %convert_element_type3A_124, %cond3A_125 : i32
    scf.if %cond3A_126 {
      %slice3A_135 = vector.extract_strided_slice %convert_element_type3A_12 {offsets = [0, 0], sizes = [81, 384], strides = [1, 1]} : vector<81x6144xbf16> to vector<81x384xbf16>
      %sub3A_136 = arith.constant 1 : i32
      %sub3A_137 = arith.subi %sub3A_136, %rem3A_0 : i32
      %swap3A_138 = arith.index_cast %sub3A_137 : i32 to index
      %swap3A_139 = arith.constant 0 : index
      %swap3A_140 = arith.constant 8704 : index
      %swap3A_141 = vector.load %arg8[%swap3A_138, %swap3A_139, %swap3A_140] : memref<2x243x9728xbf16, #tpu.memory_space<vmem>>, vector<1x81x384xbf16>
      %swap3A_142 = vector.shape_cast %swap3A_141 : vector<1x81x384xbf16> to vector<81x384xbf16>
      %swap3A_143 = vector.shape_cast %slice3A_135 : vector<81x384xbf16> to vector<1x81x384xbf16>
      tpu.vector_store %arg8[%swap3A_138, %swap3A_139, %swap3A_140], %swap3A_143 {strides = array<i32>} : memref<2x243x9728xbf16, #tpu.memory_space<vmem>>, vector<1x81x384xbf16>,
      %sub3A_144 = arith.constant 1 : i32
      %sub3A_145 = arith.subi %sub3A_144, %rem3A_0 : i32
      %get3A_146 = arith.index_cast %sub3A_145 : i32 to index
      %get3A_147 = arith.constant 0 : index
      %get3A_148 = arith.constant 0 : index
      %get3A_149 = vector.load %arg8[%get3A_146, %get3A_147, %get3A_148] : memref<2x243x9728xbf16, #tpu.memory_space<vmem>>, vector<1x81x9728xbf16>
      %get3A_150 = vector.shape_cast %get3A_149 : vector<1x81x9728xbf16> to vector<81x9728xbf16>
      %slice3A_151 = vector.extract_strided_slice %get3A_150 {offsets = [0, 0], sizes = [81, 9727], strides = [1, 1]} : vector<81x9728xbf16> to vector<81x9727xbf16>
      %sub3A_152 = arith.constant 1 : i32
      %sub3A_153 = arith.subi %sub3A_152, %rem3A_0 : i32
      %swap3A_154 = arith.index_cast %sub3A_153 : i32 to index
      %swap3A_155 = arith.constant 81 : index
      %swap3A_156 = arith.constant 1 : index
      %swap3A_157 = vector.load %arg8[%swap3A_154, %swap3A_155, %swap3A_156] : memref<2x243x9728xbf16, #tpu.memory_space<vmem>>, vector<1x81x9727xbf16>
      %swap3A_158 = vector.shape_cast %swap3A_157 : vector<1x81x9727xbf16> to vector<81x9727xbf16>
      %swap3A_159 = vector.shape_cast %slice3A_151 : vector<81x9727xbf16> to vector<1x81x9727xbf16>
      tpu.vector_store %arg8[%swap3A_154, %swap3A_155, %swap3A_156], %swap3A_159 {strides = array<i32>} : memref<2x243x9728xbf16, #tpu.memory_space<vmem>>, vector<1x81x9727xbf16>,
      %slice3A_160 = vector.extract_strided_slice %get3A_150 {offsets = [0, 1], sizes = [81, 9727], strides = [1, 1]} : vector<81x9728xbf16> to vector<81x9727xbf16>
      %sub3A_161 = arith.constant 1 : i32
      %sub3A_162 = arith.subi %sub3A_161, %rem3A_0 : i32
      %swap3A_163 = arith.index_cast %sub3A_162 : i32 to index
      %swap3A_164 = arith.constant 162 : index
      %swap3A_165 = arith.constant 0 : index
      %swap3A_166 = vector.load %arg8[%swap3A_163, %swap3A_164, %swap3A_165] : memref<2x243x9728xbf16, #tpu.memory_space<vmem>>, vector<1x81x9727xbf16>
      %swap3A_167 = vector.shape_cast %swap3A_166 : vector<1x81x9727xbf16> to vector<81x9727xbf16>
      %swap3A_168 = vector.shape_cast %slice3A_160 : vector<81x9727xbf16> to vector<1x81x9727xbf16>
      tpu.vector_store %arg8[%swap3A_163, %swap3A_164, %swap3A_165], %swap3A_168 {strides = array<i32>} : memref<2x243x9728xbf16, #tpu.memory_space<vmem>>, vector<1x81x9727xbf16>,
      %get3A_169 = arith.constant 0 : index
      %get3A_170 = arith.constant 0 : index
      %get3A_171 = arith.constant 0 : index
      %get3A_172 = vector.load %arg3[%get3A_169, %get3A_170, %get3A_171] : memref<3x81x243xbf16, #tpu.memory_space<vmem>>, vector<1x81x243xbf16>
      %get3A_173 = vector.shape_cast %get3A_172 : vector<1x81x243xbf16> to vector<81x243xbf16>
      %sub3A_174 = arith.constant 1 : i32
      %sub3A_175 = arith.subi %sub3A_174, %rem3A_0 : i32
      %get3A_176 = arith.index_cast %sub3A_175 : i32 to index
      %get3A_177 = arith.constant 0 : index
      %get3A_178 = arith.constant 0 : index
      %get3A_179 = vector.load %arg8[%get3A_176, %get3A_177, %get3A_178] : memref<2x243x9728xbf16, #tpu.memory_space<vmem>>, vector<1x243x8192xbf16>
      %get3A_180 = vector.shape_cast %get3A_179 : vector<1x243x8192xbf16> to vector<243x8192xbf16>
      %dot_general3A = arith.constant dense<0.000000e+00> : vector<81x8192xf32>
      %dot_general3A_181 = tpu.matmul %get3A_173, %get3A_180, %dot_general3A {dimension_numbers = #tpu.dot_dimension_numbers<[1], [0], [0], [1], [0, 0, 1, 1], [], []>, transpose_lhs_hint = false} : vector<81x243xbf16>, vector<243x8192xbf16>, vector<81x8192xf32> -> vector<81x8192xf32>
      %get3A_182 = arith.constant 1 : index
      %get3A_183 = arith.constant 0 : index
      %get3A_184 = arith.constant 0 : index
      %get3A_185 = vector.load %arg3[%get3A_182, %get3A_183, %get3A_184] : memref<3x81x243xbf16, #tpu.memory_space<vmem>>, vector<1x81x243xbf16>
      %get3A_186 = vector.shape_cast %get3A_185 : vector<1x81x243xbf16> to vector<81x243xbf16>
      %sub3A_187 = arith.constant 1 : i32
      %sub3A_188 = arith.subi %sub3A_187, %rem3A_0 : i32
      %get3A_189 = arith.index_cast %sub3A_188 : i32 to index
      %get3A_190 = arith.constant 0 : index
      %get3A_191 = arith.constant 512 : index
      %get3A_192 = vector.load %arg8[%get3A_189, %get3A_190, %get3A_191] : memref<2x243x9728xbf16, #tpu.memory_space<vmem>>, vector<1x243x8192xbf16>
      %get3A_193 = vector.shape_cast %get3A_192 : vector<1x243x8192xbf16> to vector<243x8192xbf16>
      %dot_general3A_194 = arith.constant dense<0.000000e+00> : vector<81x8192xf32>
      %dot_general3A_195 = tpu.matmul %get3A_186, %get3A_193, %dot_general3A_194 {dimension_numbers = #tpu.dot_dimension_numbers<[1], [0], [0], [1], [0, 0, 1, 1], [], []>, transpose_lhs_hint = false} : vector<81x243xbf16>, vector<243x8192xbf16>, vector<81x8192xf32> -> vector<81x8192xf32>
      %add3A = arith.addf %dot_general3A_181, %dot_general3A_195 : vector<81x8192xf32>
      %get3A_196 = arith.constant 2 : index
      %get3A_197 = arith.constant 0 : index
      %get3A_198 = arith.constant 0 : index
      %get3A_199 = vector.load %arg3[%get3A_196, %get3A_197, %get3A_198] : memref<3x81x243xbf16, #tpu.memory_space<vmem>>, vector<1x81x243xbf16>
      %get3A_200 = vector.shape_cast %get3A_199 : vector<1x81x243xbf16> to vector<81x243xbf16>
      %sub3A_201 = arith.constant 1 : i32
      %sub3A_202 = arith.subi %sub3A_201, %rem3A_0 : i32
      %get3A_203 = arith.index_cast %sub3A_202 : i32 to index
      %get3A_204 = arith.constant 0 : index
      %get3A_205 = arith.constant 1024 : index
      %get3A_206 = vector.load %arg8[%get3A_203, %get3A_204, %get3A_205] : memref<2x243x9728xbf16, #tpu.memory_space<vmem>>, vector<1x243x8192xbf16>
      %get3A_207 = vector.shape_cast %get3A_206 : vector<1x243x8192xbf16> to vector<243x8192xbf16>
      %dot_general3A_208 = arith.constant dense<0.000000e+00> : vector<81x8192xf32>
      %dot_general3A_209 = tpu.matmul %get3A_200, %get3A_207, %dot_general3A_208 {dimension_numbers = #tpu.dot_dimension_numbers<[1], [0], [0], [1], [0, 0, 1, 1], [], []>, transpose_lhs_hint = false} : vector<81x243xbf16>, vector<243x8192xbf16>, vector<81x8192xf32> -> vector<81x8192xf32>
      %add3A_210 = arith.addf %add3A, %dot_general3A_209 : vector<81x8192xf32>
      %get3A_211 = arith.constant 0 : index
      %get3A_212 = arith.constant 0 : index
      %get3A_213 = vector.load %arg4[%get3A_211, %get3A_212] : memref<81x1xf32, #tpu.memory_space<vmem>>, vector<81x1xf32>
      %add3A_214 = vector.broadcast %get3A_213 : vector<81x1xf32> to vector<81x8192xf32>
      %add3A_215 = arith.addf %add3A_210, %add3A_214 : vector<81x8192xf32>
      %max3A_216 = arith.constant 0.000000e+00 : f32
      %max3A_217 = vector.broadcast %max3A_216 : f32 to vector<81x8192xf32>
      %max3A_218 = arith.maximumf %add3A_215, %max3A_217 : vector<81x8192xf32>
      %convert_element_type3A_219 = arith.truncf %max3A_218 : vector<81x8192xf32> to vector<81x8192xbf16>
      %get3A_220 = arith.constant 0 : index
      %get3A_221 = arith.constant 0 : index
      %get3A_222 = vector.load %arg5[%get3A_220, %get3A_221] : memref<81x81xbf16, #tpu.memory_space<vmem>>, vector<81x81xbf16>
      %dot_general3A_223 = arith.constant dense<0.000000e+00> : vector<81x8192xf32>
      %dot_general3A_224 = tpu.matmul %get3A_222, %convert_element_type3A_219, %dot_general3A_223 {dimension_numbers = #tpu.dot_dimension_numbers<[1], [0], [0], [1], [0, 0, 1, 1], [], []>, transpose_lhs_hint = false} : vector<81x81xbf16>, vector<81x8192xbf16>, vector<81x8192xf32> -> vector<81x8192xf32>
      %get3A_225 = arith.constant 0 : index
      %get3A_226 = arith.constant 0 : index
      %get3A_227 = vector.load %arg6[%get3A_225, %get3A_226] : memref<81x1xf32, #tpu.memory_space<vmem>>, vector<81x1xf32>
      %add3A_228 = vector.broadcast %get3A_227 : vector<81x1xf32> to vector<81x8192xf32>
      %add3A_229 = arith.addf %dot_general3A_224, %add3A_228 : vector<81x8192xf32>
      %slice3A_230 = vector.extract_strided_slice %add3A_229 {offsets = [0, 0], sizes = [81, 384], strides = [1, 1]} : vector<81x8192xf32> to vector<81x384xf32>
      %swap3A_231 = arith.constant 0 : index
      %swap3A_232 = arith.constant 0 : index
      %swap3A_233 = arith.constant 0 : index
      %swap3A_234 = vector.load %arg7[%swap3A_231, %swap3A_232, %swap3A_233] : memref<81x16x384xf32, #tpu.memory_space<vmem>>, vector<81x1x384xf32>
      %swap3A_235 = vector.shape_cast %swap3A_234 : vector<81x1x384xf32> to vector<81x384xf32>
      %swap3A_236 = vector.shape_cast %slice3A_230 : vector<81x384xf32> to vector<81x1x384xf32>
      tpu.vector_store %arg7[%swap3A_231, %swap3A_232, %swap3A_233], %swap3A_236 {strides = array<i32>} : memref<81x16x384xf32, #tpu.memory_space<vmem>>, vector<81x1x384xf32>,
      %slice3A_237 = vector.extract_strided_slice %add3A_229 {offsets = [0, 512], sizes = [81, 384], strides = [1, 1]} : vector<81x8192xf32> to vector<81x384xf32>
      %swap3A_238 = arith.constant 0 : index
      %swap3A_239 = arith.constant 1 : index
      %swap3A_240 = arith.constant 0 : index
      %swap3A_241 = vector.load %arg7[%swap3A_238, %swap3A_239, %swap3A_240] : memref<81x16x384xf32, #tpu.memory_space<vmem>>, vector<81x1x384xf32>
      %swap3A_242 = vector.shape_cast %swap3A_241 : vector<81x1x384xf32> to vector<81x384xf32>
      %swap3A_243 = vector.shape_cast %slice3A_237 : vector<81x384xf32> to vector<81x1x384xf32>
      tpu.vector_store %arg7[%swap3A_238, %swap3A_239, %swap3A_240], %swap3A_243 {strides = array<i32>} : memref<81x16x384xf32, #tpu.memory_space<vmem>>, vector<81x1x384xf32>,
      %slice3A_244 = vector.extract_strided_slice %add3A_229 {offsets = [0, 1024], sizes = [81, 384], strides = [1, 1]} : vector<81x8192xf32> to vector<81x384xf32>
      %swap3A_245 = arith.constant 0 : index
      %swap3A_246 = arith.constant 2 : index
      %swap3A_247 = arith.constant 0 : index
      %swap3A_248 = vector.load %arg7[%swap3A_245, %swap3A_246, %swap3A_247] : memref<81x16x384xf32, #tpu.memory_space<vmem>>, vector<81x1x384xf32>
      %swap3A_249 = vector.shape_cast %swap3A_248 : vector<81x1x384xf32> to vector<81x384xf32>
      %swap3A_250 = vector.shape_cast %slice3A_244 : vector<81x384xf32> to vector<81x1x384xf32>
      tpu.vector_store %arg7[%swap3A_245, %swap3A_246, %swap3A_247], %swap3A_250 {strides = array<i32>} : memref<81x16x384xf32, #tpu.memory_space<vmem>>, vector<81x1x384xf32>,
      %slice3A_251 = vector.extract_strided_slice %add3A_229 {offsets = [0, 1536], sizes = [81, 384], strides = [1, 1]} : vector<81x8192xf32> to vector<81x384xf32>
      %swap3A_252 = arith.constant 0 : index
      %swap3A_253 = arith.constant 3 : index
      %swap3A_254 = arith.constant 0 : index
      %swap3A_255 = vector.load %arg7[%swap3A_252, %swap3A_253, %swap3A_254] : memref<81x16x384xf32, #tpu.memory_space<vmem>>, vector<81x1x384xf32>
      %swap3A_256 = vector.shape_cast %swap3A_255 : vector<81x1x384xf32> to vector<81x384xf32>
      %swap3A_257 = vector.shape_cast %slice3A_251 : vector<81x384xf32> to vector<81x1x384xf32>
      tpu.vector_store %arg7[%swap3A_252, %swap3A_253, %swap3A_254], %swap3A_257 {strides = array<i32>} : memref<81x16x384xf32, #tpu.memory_space<vmem>>, vector<81x1x384xf32>,
      %slice3A_258 = vector.extract_strided_slice %add3A_229 {offsets = [0, 2048], sizes = [81, 384], strides = [1, 1]} : vector<81x8192xf32> to vector<81x384xf32>
      %swap3A_259 = arith.constant 0 : index
      %swap3A_260 = arith.constant 4 : index
      %swap3A_261 = arith.constant 0 : index
      %swap3A_262 = vector.load %arg7[%swap3A_259, %swap3A_260, %swap3A_261] : memref<81x16x384xf32, #tpu.memory_space<vmem>>, vector<81x1x384xf32>
      %swap3A_263 = vector.shape_cast %swap3A_262 : vector<81x1x384xf32> to vector<81x384xf32>
      %swap3A_264 = vector.shape_cast %slice3A_258 : vector<81x384xf32> to vector<81x1x384xf32>
      tpu.vector_store %arg7[%swap3A_259, %swap3A_260, %swap3A_261], %swap3A_264 {strides = array<i32>} : memref<81x16x384xf32, #tpu.memory_space<vmem>>, vector<81x1x384xf32>,
      %slice3A_265 = vector.extract_strided_slice %add3A_229 {offsets = [0, 2560], sizes = [81, 384], strides = [1, 1]} : vector<81x8192xf32> to vector<81x384xf32>
      %swap3A_266 = arith.constant 0 : index
      %swap3A_267 = arith.constant 5 : index
      %swap3A_268 = arith.constant 0 : index
      %swap3A_269 = vector.load %arg7[%swap3A_266, %swap3A_267, %swap3A_268] : memref<81x16x384xf32, #tpu.memory_space<vmem>>, vector<81x1x384xf32>
      %swap3A_270 = vector.shape_cast %swap3A_269 : vector<81x1x384xf32> to vector<81x384xf32>
      %swap3A_271 = vector.shape_cast %slice3A_265 : vector<81x384xf32> to vector<81x1x384xf32>
      tpu.vector_store %arg7[%swap3A_266, %swap3A_267, %swap3A_268], %swap3A_271 {strides = array<i32>} : memref<81x16x384xf32, #tpu.memory_space<vmem>>, vector<81x1x384xf32>,
      %slice3A_272 = vector.extract_strided_slice %add3A_229 {offsets = [0, 3072], sizes = [81, 384], strides = [1, 1]} : vector<81x8192xf32> to vector<81x384xf32>
      %swap3A_273 = arith.constant 0 : index
      %swap3A_274 = arith.constant 6 : index
      %swap3A_275 = arith.constant 0 : index
      %swap3A_276 = vector.load %arg7[%swap3A_273, %swap3A_274, %swap3A_275] : memref<81x16x384xf32, #tpu.memory_space<vmem>>, vector<81x1x384xf32>
      %swap3A_277 = vector.shape_cast %swap3A_276 : vector<81x1x384xf32> to vector<81x384xf32>
      %swap3A_278 = vector.shape_cast %slice3A_272 : vector<81x384xf32> to vector<81x1x384xf32>
      tpu.vector_store %arg7[%swap3A_273, %swap3A_274, %swap3A_275], %swap3A_278 {strides = array<i32>} : memref<81x16x384xf32, #tpu.memory_space<vmem>>, vector<81x1x384xf32>,
      %slice3A_279 = vector.extract_strided_slice %add3A_229 {offsets = [0, 3584], sizes = [81, 384], strides = [1, 1]} : vector<81x8192xf32> to vector<81x384xf32>
      %swap3A_280 = arith.constant 0 : index
      %swap3A_281 = arith.constant 7 : index
      %swap3A_282 = arith.constant 0 : index
      %swap3A_283 = vector.load %arg7[%swap3A_280, %swap3A_281, %swap3A_282] : memref<81x16x384xf32, #tpu.memory_space<vmem>>, vector<81x1x384xf32>
      %swap3A_284 = vector.shape_cast %swap3A_283 : vector<81x1x384xf32> to vector<81x384xf32>
      %swap3A_285 = vector.shape_cast %slice3A_279 : vector<81x384xf32> to vector<81x1x384xf32>
      tpu.vector_store %arg7[%swap3A_280, %swap3A_281, %swap3A_282], %swap3A_285 {strides = array<i32>} : memref<81x16x384xf32, #tpu.memory_space<vmem>>, vector<81x1x384xf32>,
      %slice3A_286 = vector.extract_strided_slice %add3A_229 {offsets = [0, 4096], sizes = [81, 384], strides = [1, 1]} : vector<81x8192xf32> to vector<81x384xf32>
      %swap3A_287 = arith.constant 0 : index
      %swap3A_288 = arith.constant 8 : index
      %swap3A_289 = arith.constant 0 : index
      %swap3A_290 = vector.load %arg7[%swap3A_287, %swap3A_288, %swap3A_289] : memref<81x16x384xf32, #tpu.memory_space<vmem>>, vector<81x1x384xf32>
      %swap3A_291 = vector.shape_cast %swap3A_290 : vector<81x1x384xf32> to vector<81x384xf32>
      %swap3A_292 = vector.shape_cast %slice3A_286 : vector<81x384xf32> to vector<81x1x384xf32>
      tpu.vector_store %arg7[%swap3A_287, %swap3A_288, %swap3A_289], %swap3A_292 {strides = array<i32>} : memref<81x16x384xf32, #tpu.memory_space<vmem>>, vector<81x1x384xf32>,
      %slice3A_293 = vector.extract_strided_slice %add3A_229 {offsets = [0, 4608], sizes = [81, 384], strides = [1, 1]} : vector<81x8192xf32> to vector<81x384xf32>
      %swap3A_294 = arith.constant 0 : index
      %swap3A_295 = arith.constant 9 : index
      %swap3A_296 = arith.constant 0 : index
      %swap3A_297 = vector.load %arg7[%swap3A_294, %swap3A_295, %swap3A_296] : memref<81x16x384xf32, #tpu.memory_space<vmem>>, vector<81x1x384xf32>
      %swap3A_298 = vector.shape_cast %swap3A_297 : vector<81x1x384xf32> to vector<81x384xf32>
      %swap3A_299 = vector.shape_cast %slice3A_293 : vector<81x384xf32> to vector<81x1x384xf32>
      tpu.vector_store %arg7[%swap3A_294, %swap3A_295, %swap3A_296], %swap3A_299 {strides = array<i32>} : memref<81x16x384xf32, #tpu.memory_space<vmem>>, vector<81x1x384xf32>,
      %slice3A_300 = vector.extract_strided_slice %add3A_229 {offsets = [0, 5120], sizes = [81, 384], strides = [1, 1]} : vector<81x8192xf32> to vector<81x384xf32>
      %swap3A_301 = arith.constant 0 : index
      %swap3A_302 = arith.constant 10 : index
      %swap3A_303 = arith.constant 0 : index
      %swap3A_304 = vector.load %arg7[%swap3A_301, %swap3A_302, %swap3A_303] : memref<81x16x384xf32, #tpu.memory_space<vmem>>, vector<81x1x384xf32>
      %swap3A_305 = vector.shape_cast %swap3A_304 : vector<81x1x384xf32> to vector<81x384xf32>
      %swap3A_306 = vector.shape_cast %slice3A_300 : vector<81x384xf32> to vector<81x1x384xf32>
      tpu.vector_store %arg7[%swap3A_301, %swap3A_302, %swap3A_303], %swap3A_306 {strides = array<i32>} : memref<81x16x384xf32, #tpu.memory_space<vmem>>, vector<81x1x384xf32>,
      %slice3A_307 = vector.extract_strided_slice %add3A_229 {offsets = [0, 5632], sizes = [81, 384], strides = [1, 1]} : vector<81x8192xf32> to vector<81x384xf32>
      %swap3A_308 = arith.constant 0 : index
      %swap3A_309 = arith.constant 11 : index
      %swap3A_310 = arith.constant 0 : index
      %swap3A_311 = vector.load %arg7[%swap3A_308, %swap3A_309, %swap3A_310] : memref<81x16x384xf32, #tpu.memory_space<vmem>>, vector<81x1x384xf32>
      %swap3A_312 = vector.shape_cast %swap3A_311 : vector<81x1x384xf32> to vector<81x384xf32>
      %swap3A_313 = vector.shape_cast %slice3A_307 : vector<81x384xf32> to vector<81x1x384xf32>
      tpu.vector_store %arg7[%swap3A_308, %swap3A_309, %swap3A_310], %swap3A_313 {strides = array<i32>} : memref<81x16x384xf32, #tpu.memory_space<vmem>>, vector<81x1x384xf32>,
      %slice3A_314 = vector.extract_strided_slice %add3A_229 {offsets = [0, 6144], sizes = [81, 384], strides = [1, 1]} : vector<81x8192xf32> to vector<81x384xf32>
      %swap3A_315 = arith.constant 0 : index
      %swap3A_316 = arith.constant 12 : index
      %swap3A_317 = arith.constant 0 : index
      %swap3A_318 = vector.load %arg7[%swap3A_315, %swap3A_316, %swap3A_317] : memref<81x16x384xf32, #tpu.memory_space<vmem>>, vector<81x1x384xf32>
      %swap3A_319 = vector.shape_cast %swap3A_318 : vector<81x1x384xf32> to vector<81x384xf32>
      %swap3A_320 = vector.shape_cast %slice3A_314 : vector<81x384xf32> to vector<81x1x384xf32>
      tpu.vector_store %arg7[%swap3A_315, %swap3A_316, %swap3A_317], %swap3A_320 {strides = array<i32>} : memref<81x16x384xf32, #tpu.memory_space<vmem>>, vector<81x1x384xf32>,
      %slice3A_321 = vector.extract_strided_slice %add3A_229 {offsets = [0, 6656], sizes = [81, 384], strides = [1, 1]} : vector<81x8192xf32> to vector<81x384xf32>
      %swap3A_322 = arith.constant 0 : index
      %swap3A_323 = arith.constant 13 : index
      %swap3A_324 = arith.constant 0 : index
      %swap3A_325 = vector.load %arg7[%swap3A_322, %swap3A_323, %swap3A_324] : memref<81x16x384xf32, #tpu.memory_space<vmem>>, vector<81x1x384xf32>
      %swap3A_326 = vector.shape_cast %swap3A_325 : vector<81x1x384xf32> to vector<81x384xf32>
      %swap3A_327 = vector.shape_cast %slice3A_321 : vector<81x384xf32> to vector<81x1x384xf32>
      tpu.vector_store %arg7[%swap3A_322, %swap3A_323, %swap3A_324], %swap3A_327 {strides = array<i32>} : memref<81x16x384xf32, #tpu.memory_space<vmem>>, vector<81x1x384xf32>,
      %slice3A_328 = vector.extract_strided_slice %add3A_229 {offsets = [0, 7168], sizes = [81, 384], strides = [1, 1]} : vector<81x8192xf32> to vector<81x384xf32>
      %swap3A_329 = arith.constant 0 : index
      %swap3A_330 = arith.constant 14 : index
      %swap3A_331 = arith.constant 0 : index
      %swap3A_332 = vector.load %arg7[%swap3A_329, %swap3A_330, %swap3A_331] : memref<81x16x384xf32, #tpu.memory_space<vmem>>, vector<81x1x384xf32>
      %swap3A_333 = vector.shape_cast %swap3A_332 : vector<81x1x384xf32> to vector<81x384xf32>
      %swap3A_334 = vector.shape_cast %slice3A_328 : vector<81x384xf32> to vector<81x1x384xf32>
      tpu.vector_store %arg7[%swap3A_329, %swap3A_330, %swap3A_331], %swap3A_334 {strides = array<i32>} : memref<81x16x384xf32, #tpu.memory_space<vmem>>, vector<81x1x384xf32>,
      %slice3A_335 = vector.extract_strided_slice %add3A_229 {offsets = [0, 7680], sizes = [81, 384], strides = [1, 1]} : vector<81x8192xf32> to vector<81x384xf32>
      %swap3A_336 = arith.constant 0 : index
      %swap3A_337 = arith.constant 15 : index
      %swap3A_338 = arith.constant 0 : index
      %swap3A_339 = vector.load %arg7[%swap3A_336, %swap3A_337, %swap3A_338] : memref<81x16x384xf32, #tpu.memory_space<vmem>>, vector<81x1x384xf32>
      %swap3A_340 = vector.shape_cast %swap3A_339 : vector<81x1x384xf32> to vector<81x384xf32>
      %swap3A_341 = vector.shape_cast %slice3A_335 : vector<81x384xf32> to vector<81x1x384xf32>
      tpu.vector_store %arg7[%swap3A_336, %swap3A_337, %swap3A_338], %swap3A_341 {strides = array<i32>} : memref<81x16x384xf32, #tpu.memory_space<vmem>>, vector<81x1x384xf32>,
    } else {
    }
    %slice3A_127 = vector.extract_strided_slice %convert_element_type3A_12 {offsets = [0, 5760], sizes = [81, 384], strides = [1, 1]} : vector<81x6144xbf16> to vector<81x384xbf16>
    %sub3A = arith.constant 1 : i32
    %sub3A_128 = arith.subi %sub3A, %rem3A_0 : i32
    %swap3A_129 = arith.index_cast %sub3A_128 : i32 to index
    %swap3A_130 = arith.constant 0 : index
    %swap3A_131 = arith.constant 0 : index
    %swap3A_132 = vector.load %arg8[%swap3A_129, %swap3A_130, %swap3A_131] : memref<2x243x9728xbf16, #tpu.memory_space<vmem>>, vector<1x81x384xbf16>
    %swap3A_133 = vector.shape_cast %swap3A_132 : vector<1x81x384xbf16> to vector<81x384xbf16>
    %swap3A_134 = vector.shape_cast %slice3A_127 : vector<81x384xbf16> to vector<1x81x384xbf16>
    tpu.vector_store %arg8[%swap3A_129, %swap3A_130, %swap3A_131], %swap3A_134 {strides = array<i32>} : memref<2x243x9728xbf16, #tpu.memory_space<vmem>>, vector<1x81x384xbf16>,
    return
  }
  func.func @transform_0(%arg0: i32) -> (i32, i32) {
    %min3A = arith.constant 23 : i32
    %min3A_0 = arith.minsi %arg0, %min3A : i32
    %c0_i32 = arith.constant 0 : i32
    %c0_i32_1 = arith.constant 0 : i32
    return %c0_i32, %min3A_0 : i32, i32
  }
  func.func @transform_1(%arg0: i32) -> (i32, i32) {
    %min3A = arith.constant 23 : i32
    %min3A_0 = arith.minsi %arg0, %min3A : i32
    %c0_i32 = arith.constant 0 : i32
    %c0_i32_1 = arith.constant 0 : i32
    return %c0_i32, %min3A_0 : i32, i32
  }
  func.func @transform_2(%arg0: i32) -> (i32, i32, i32) {
    %c0_i32 = arith.constant 0 : i32
    %c0_i32_0 = arith.constant 0 : i32
    %c0_i32_1 = arith.constant 0 : i32
    %c0_i32_2 = arith.constant 0 : i32
    return %c0_i32, %c0_i32_0, %c0_i32_1 : i32, i32, i32
  }
  func.func @transform_3(%arg0: i32) -> (i32, i32) {
    %c0_i32 = arith.constant 0 : i32
    %c0_i32_0 = arith.constant 0 : i32
    %c0_i32_1 = arith.constant 0 : i32
    return %c0_i32, %c0_i32_0 : i32, i32
  }
  func.func @transform_4(%arg0: i32) -> (i32, i32) {
    %c0_i32 = arith.constant 0 : i32
    %c0_i32_0 = arith.constant 0 : i32
    %c0_i32_1 = arith.constant 0 : i32
    return %c0_i32, %c0_i32_0 : i32, i32
  }
  func.func @transform_5(%arg0: i32) -> (i32, i32) {
    %c0_i32 = arith.constant 0 : i32
    %c0_i32_0 = arith.constant 0 : i32
    %c0_i32_1 = arith.constant 0 : i32
    return %c0_i32, %c0_i32_0 : i32, i32
  }
  func.func @transform_6(%arg0: i32) -> (i32, i32, i32) {
    %sub3A = arith.constant 1 : i32
    %sub3A_0 = arith.subi %arg0, %sub3A : i32
    %max3A = arith.constant 0 : i32
    %max3A_1 = arith.maxsi %sub3A_0, %max3A : i32
    %c0_i32 = arith.constant 0 : i32
    %c0_i32_2 = arith.constant 0 : i32
    %c0_i32_3 = arith.constant 0 : i32
    return %c0_i32, %max3A_1, %c0_i32_2 : i32, i32, i32
  }
}

</mosaic_0001>

<sc_bundles>
// kernel: sparse-core-data-format-call.cloned.1.call-start
scs
called_computation_lowered:
.L_overlay_start_0:
0x0: {  	s1 =	sld [smem:$0x3FD9]  }
0x1: {  	s2 =	sld [smem:$0x3FFE];
	_ =	sdelay $0x1  }
0x2: {  	s3 =	srdreg.scid  }
0x3: {  	s0 =	sand.u32 $0x1, s3  }
0x4: {  	s17 =	sshll.u32 s0, $0xA;
	s1 =	sadd.s32 s2, s1  }
0x5: {  	s1 =	sadd.s32 s1, s17  }
0x6: {  	[smem:$0x3FC1] =	sst s1  }
0x7: {  	_ = 	snop  }
0x8: {  	(tm) =	ssettm $0x1  }
0x9: {  	s18 =	sld [smem:$0x3FFB];
	_ =	sdelay $0x3  }
0xa: {  	_ =	strace s18  }
0xb: {  	s1 =	sld [smem:$0x3FFC];
	_ =	sdelay $0x3  }
0xc: {  	_ =	strace s1  }
0xd: {  	s1 =	sld [smem:$0x3FFD];
	_ =	sdelay $0x3  }
0xe: {  	_ =	strace s1  }
0xf: {  	_ =	strace $0x8FFFFFFF  }
0x10: {  	s19 =	sld [smem:$0x3FDB];
	_ =	sdelay $0x1  }
0x11: {  	s20 =	simm.s32 $_scs_section_size  }
0x12: {  	s4 =	simm.s32 $_size__tile_overlayer_lowered;
	s5 =	simm.s32 $_tile_overlayer_lowered  }
0x13: {  	s23 =	simm.s32 $0x1BFF;
	s22 =	sshll.u32 s5, $0x1;
	s1 =	sadd.s32 s20, s19  }
0x14: {  	s6 =	simm.s32 $0x0;
	s21 =	sshll.u32 s4, $0x1;
	s4 =	sadd.s32 s22, s1  }
0x15: {  	[timem:s6], [sflag:s23] =	dma.local [hbm:s4], s21  }
0x16: {  	_ =	swait.ge [sflag:s23], s21  }
0x17: {  	s2 =	ssub.s32 $0x0, s21;
	[sflag:s23] =	ssyncset.done $0x0  }
0x18: {  	[sflag:s23] =	ssyncadd.s32 s2;
	_ =	sdelay $0x1  }
0x19: {  	s24 =	simm.s32 $0x1B8B  }
0x1a: {  	_ =	swait.ge [sflag:s24], $0x1  }
0x1b: {  	[sflag:s24] =	ssyncset.done $0x0  }
0x1c: {  	s26 =	simm.s32 $0x1B8E;
	s25 =	sld [smem:$0x3FFE];
	[sflag:s24] =	ssyncadd.s32 $0xFFFFFFFF  }
0x1d: {  	s27 =	simm.s32 $execute0_lowered;
	[smem:$0x3FD2] =	sst s26  }
0x1e: {  	s4 =	sshll.u32 s27, $0x1;
	_ =	strace $0x80000046;
	[dreg:$0x1] =	wrdreg $0xFFFFFFFF  }
0x1f: {  	s28 =	simm.s32 $_size_execute0_lowered;
	s1 =	sadd.s32 s1, s4;
	[dreg:$0x0] =	wrdreg $0x0  }
0x20: {  	s4 =	sshll.u32 s28, $0x1;
	[dreg:$0x2] =	wrdreg s1  }
0x21: {  	[dreg:$0x3] =	wrdreg s4  }
0x22: {  	[dreg:$0x4] =	wrdreg $0xC0  }
0x23: {  	_ =	task [dreg:s6], $0x5FFFF  }
0x24: {  	[dreg:$0x1] =	wrdreg $0xFFFFFFFF  }
0x25: {  	[dreg:$0x0] =	wrdreg $0x60  }
0x26: {  	[dreg:$0x2] =	wrdreg s25  }
0x27: {  	[dreg:$0x3] =	wrdreg $0x9  }
0x28: {  	_ =	task.clear_ibuf [dreg:s6], $0x4FFFF;
	_ =	strace $0x90000046  }
0x29: {  	s29 =	simm.s32 $0x9;
	_ =	strace $0x80000048  }
0x2a: {  	_ =	swait.ge [sflag:s29], $0x1  }
0x2b: {  	[sflag:s29] =	ssyncadd.s32 $0xFFFFFFFF  }
0x2c: {  	_ =	strace $0x90000048  }
0x2d: {  	_ =	sfence  }
0x2e: {  	s30 =	sld [smem:$0x0];
	_ =	sdelay $0x2  }
0x2f: {  	s31 =	sshll.u32 s3, $0xD;
	s3 =	sshrl.u32 s3, $0x2  }
0x30: {  	s2 =	sand.u32 $0x4000, s31;
	s1 =	sadd.s32 s3, s30  }
0x31: {  	s0 =	sor.u32 s2, s0;
	s1 =	sshll.u32 s1, $0x11  }
0x32: {  	s0 =	sor.u32 s1, s0  }
0x33: {  	s0 =	sadd.s32 $0x8F2B, s0  }
0x34: {  	[sflag:s0] =	ssyncadd.remote.s32 $0x1  }
0x35: {  	_ =	sfence.sel $0xFFFF  }
0x36: {  	[dreg:$0x0] =	wrdreg $0xFFFFFFFF;
	(pc) =	sbr.abs _section_cstart, $3  }
0x37: {  	[dreg:$0x1] =	wrdreg $0xFFFFFFFF  }
0x38: {  	_ =	task.clear_ibuf [dreg:s6], $0x2FFFF;
	_ =	strace $0x9FFFFFFF  }
0x39: {  	(tm) =	ssettm $0x7FFFFFFF  }
tec
execute0_lowered:
.L_overlay_start_1:
0x0: {  	(tag) =	ssettag $0x1  }
0x1: {  	s3 =	rddreg [dreg:$0x0]  }
0x2: {  	s0 =	rddreg [dreg:$0x1]  }
0x3: {  	_ =	strace $0x80000047;
	s1 =	stileid.u32;
	s4 =	srdreg.scid  }
0x4: {  	s8 =	simm.s32 $0x2;
	s7 =	simm.s32 $0x0;
	s17 =	simm.s32 $0x0  }
0x5: {  	s9 =	simm.s32 $0xC00;
	s15 =	simm.s32 $0x0;
	s18 =	simm.s32 $0x0  }
0x6: {  	s16 =	simm.s32 $0x0;
	s10 =	simm.s32 $0x0;
	s13 =	simm.s32 $0x0  }
0x7: {  	s14 =	simm.s32 $0x0;
	s5 =	sshll.u32 s1, $0x4;
	s4 =	sshll.u32 s4, $0x8  }
.Ltmp0:
0x8: {  	s2 =	sadd.s32 $0x1600, s3;
	s6 =	sor.u32 s5, s4;
	(pc) =	sbr.rel .LBB1_1-.Ltmp0, $4  }
0x9: {  	s3 =	sadd.s32 $0x18D600, s3;
	s4 =	simm.s32 $0x1;
	s6 =	sand.u32 $0x180, s6  }
0xa: {  	s5 =	sand.u32 $0x7, s1;
	[sflag:s4] =	ssyncpa.u1 $0x0;
	p0 =	seq.s32 s6, $0x180  }
0xb: {  	s12 =	smov.u32 s5;
	[sflag:s8] =	ssyncpa.u1 $0x0;
	s7 =	simm.s32 @!p0 $0x21  }
0xc: {  	s11 =	smov.u32 s6;
	p0 =	por $0x0, $0x0;
	s8 =	sadd.s32 $0x1, s7  }
.LBB1_4:
0xd: {  	_ =	sdelay $0x2  }
0xe: {  	s22 =	sshrl.u32 s18, $0x3  }
0xf: {  	s23 =	sshll.u32 s17, $0x3;
	[tilespmem:v0+s21+$0xFFFFFFA0 ss:$0x1] =	vst.idx.msk $0xffff, v7;
	s22 =	smul.u32 $0xC00, s22  }
0x10: {  	s27 =	sshll.u32 s18, $0x7;
	v56 =	vld.idx.msk [tilespmem:v1+s20+$0x30 ss:$0x1], $0xffff;
	[tilespmem:v0+s21+$0xFFFFFFB0 ss:$0x1] =	vst.idx.msk $0xffff, v5;
	s23 =	sand.u32 $0xFFFFFC00, s23  }
0x11: {  	v57 =	vld.idx.msk [tilespmem:v1+s20+$0xFFFFFFC0 ss:$0x1], $0xffff;
	[tilespmem:v0+s21+$0xFFFFFFC0 ss:$0x1] =	vst.idx.msk $0xffff, v4;
	s18 =	sand.u32 $0x380, s27;
	s22 =	sadd.s32 s22, s23  }
0x12: {  	s28 =	sand.u32 $0x7F, s17;
	v58 =	vld.idx.msk [tilespmem:v1+s20+$0xFFFFFFD0 ss:$0x1], $0xffff;
	[tilespmem:v0+s21+$0xFFFFFFD0 ss:$0x1] =	vst.idx.msk $0xffff, v2;
	s18 =	sor.u32 s18, s22  }
0x13: {  	v59 =	vld.idx.msk [tilespmem:v1+s20+$0xFFFFFFE0 ss:$0x1], $0xffff;
	[tilespmem:v0+s21+$0xFFFFFFE0 ss:$0x1] =	vst.idx.msk $0xffff, v3;
	s17 =	sor.u32 s28, s18  }
0x14: {  	[tilespmem:v0+s21+$0xFFFFFFF0 ss:$0x1] =	vst.idx.msk $0xffff, v6;
	v60 =	vld.idx.msk [tilespmem:v1+s20+$0xFFFFFFF0 ss:$0x1], $0xffff;
	s29 =	smulhi.u32 $0xAAAAAAAB, s17  }
0x15: {  	v61 =	vld.idx.msk [tilespmem:v1+s20+$0x0 ss:$0x1], $0xffff;
	[tilespmem:v0+s20+$0x0 ss:$0x1] =	vst.idx.msk $0xffff, v56;
	s18 =	smulhi.u32 $0xAAAAAAAB, s18  }
0x16: {  	v62 =	vld.idx.msk [tilespmem:v1+s20+$0x10 ss:$0x1], $0xffff;
	s16 =	smul.u32 $0x24000, s16;
	[tilespmem:v0+s20+$0xFFFFFF90 ss:$0x1] =	vst.idx.msk $0xffff, v57;
	s30 =	sshrl.u32 s29, $0x8  }
0x17: {  	v63 =	vld.idx.msk [tilespmem:v1+s20+$0x20 ss:$0x1], $0xffff;
	[tilespmem:v0+s20+$0xFFFFFFA0 ss:$0x1] =	vst.idx.msk $0xffff, v58;
	s18 =	sshrl.u32 s18, $0x8;
	s21 =	smul.u32 $0x180, s30  }
0x18: {  	s15 =	smul.u32 $0x180, s15;
	[tilespmem:v0+s20+$0xFFFFFFB0 ss:$0x1] =	vst.idx.msk $0xffff, v59;
	s18 =	sand.u32 $0x7, s18  }
0x19: {  	s16 =	sadd.s32 s3, s16;
	[tilespmem:v0+s20+$0xFFFFFFC0 ss:$0x1] =	vst.idx.msk $0xffff, v60;
	s18 =	smul.u32 $0x30, s18;
	s17 =	ssub.s32 s17, s21  }
0x1a: {  	s15 =	sadd.s32 s15, s16;
	[tilespmem:v0+s20+$0xFFFFFFD0 ss:$0x1] =	vst.idx.msk $0xffff, v61;
	s31 =	sand.u32 $0x7, s17  }
0x1b: {  	[tilespmem:v0+s20+$0xFFFFFFE0 ss:$0x1] =	vst.idx.msk $0xffff, v62;
	s15 =	sadd.s32 s18, s15;
	s17 =	sshrl.u32 s17, $0x3;
	s16 =	sshll.u32 s31, $0x12  }
0x1c: {  	[tilespmem:v0+s20+$0xFFFFFFF0 ss:$0x1] =	vst.idx.msk $0xffff, v63;
	s15 =	sadd.s32 s17, s15;
	s16 =	sor.u32 $0x80, s16  }
0x1d: {  	[hbm4b:s15+s16] =	stream.strided.scatter [tilespmem:s19], [sflag:$0x2], $0x4000, s9, s16, $0x38;
	[tilespmem:$0x10000] =	vst v63  }
.LBB1_5:
0x1e: {  	s19 =	sadd.s32 $0x80, s10  }
0x1f: {  	s15 =	sadd.s32 $0x200, s11;
	s20 =	smov.u32 s11;
	p2 =	sgt.s32 s19, $0x17F  }
0x20: {  	s20 =	smov.u32 @p2 s15  }
0x21: {  	s21 =	smov.u32 s12;
	s15 =	sadd.s32 $0x8, s12;
	p3 =	sgt.s32 s20, $0x17F  }
0x22: {  	s21 =	smov.u32 @p3 s15  }
0x23: {  	s15 =	simm.s32 $0x1;
	p4 =	sgt.s32 s21, $0x7  }
0x24: {  	s15 =	simm.s32 @!p4 $0x0  }
0x25: {  	p1 =	slt.u32 s14, $0x2;
	s23 =	sadd.s32 s15, s13  }
0x26: {  	s17 =	smov.u32 s10;
	s19 =	simm.s32 @p2 $0x0;
	p2 =	sgt.s32 s23, $0xA  }
0x27: {  	s22 =	simm.s32 @!p1 $0x2;
	s23 =	simm.s32 @p2 $0x0;
	p2 =	sne.s32 s14, s8  }
.Ltmp1:
0x28: {  	s18 =	smov.u32 s12;
	_ =	swait.ge @!p1 [sflag:s22], $0x4000;
	(pc) =	sbr.rel @!p2 .LBB1_6-.Ltmp1, $4  }
0x29: {  	s16 =	smov.u32 s13;
	p0 =	por !p0, !p0;
	[sflag:s22] =	ssyncset.done @!p1 $0x0  }
0x2a: {  	s10 =	smov.u32 s19;
	s20 =	smov.u32 @p3 s6;
	[sflag:s22] =	ssyncadd.s32 @!p1 $0xFFFFC000  }
0x2b: {  	s21 =	smov.u32 @p4 s5;
	s15 =	smov.u32 s11;
	s11 =	smov.u32 s20  }
0x2c: {  	s12 =	smov.u32 s21;
	s14 =	sadd.s32 $0x1, s14;
	s13 =	smov.u32 s23  }
.LBB1_1:
0x2d: {  	p1 =	sge.u32 s14, s7  }
0x2e: {  	s19 =	sshrl.u32 @!p1 s11, $0x3  }
0x2f: {  	s20 =	sshll.u32 @!p1 s10, $0x3;
	s19 =	smul.u32 @!p1 $0xC00, s19  }
0x30: {  	s21 =	sshll.u32 @!p1 s11, $0x7;
	s20 =	sand.u32 @!p1 $0xFFFFFC00, s20  }
0x31: {  	s19 =	sadd.s32 @!p1 s19, s20;
	s20 =	sand.u32 @!p1 $0x380, s21  }
0x32: {  	s21 =	sand.u32 @!p1 $0x7F, s10;
	s19 =	sor.u32 @!p1 s20, s19  }
0x33: {  	s20 =	sor.u32 @!p1 s21, s19;
	s19 =	smulhi.u32 @!p1 $0xAAAAAAAB, s19;
	_ =	sdelay $0x1  }
0x34: {  	s21 =	smulhi.u32 @!p1 $0xAAAAAAAB, s20;
	s19 =	sshrl.u32 @!p1 s19, $0x8  }
0x35: {  	s22 =	smulhi.u32 @!p1 $0xAAAAAB, s19  }
0x36: {  	s24 =	smul.u32 @!p1 $0x24000, s13  }
0x37: {  	s21 =	sshrl.u32 @!p1 s21, $0x8;
	s22 =	smul.u32 @!p1 $0x180, s22  }
0x38: {  	s31 =	sadd.s32 $0xFFFFFFFF, s14;
	s23 =	sxor.u32 @!p1 $0xFFFFFFFF, s14;
	s21 =	smul.u32 @!p1 $0x180, s21  }
0x39: {  	s23 =	sshll.u32 @!p1 s23, $0xE;
	s19 =	ssub.s32 @!p1 s19, s22;
	s22 =	smul.u32 @!p1 $0x4800, s12  }
0x3a: {  	s20 =	ssub.s32 @!p1 s20, s21;
	s21 =	sadd.s32 @!p1 s2, s24;
	s19 =	smul.u32 @!p1 $0x30, s19  }
0x3b: {  	s23 =	sand.u32 @!p1 $0x4000, s23;
	s21 =	sadd.s32 @!p1 s22, s21;
	s22 =	sand.u32 @!p1 $0x7, s20  }
0x3c: {  	s20 =	sshrl.u32 @!p1 s20, $0x3;
	s19 =	sadd.s32 @!p1 s19, s21;
	s21 =	sshll.u32 @!p1 s22, $0x12  }
0x3d: {  	s19 =	sadd.s32 @!p1 s20, s19;
	s20 =	sor.u32 @!p1 $0x400, s21;
	s21 =	simm.s32 @!p1 $0xC00  }
0x3e: {  	[tilespmem:s23], [sflag:$0x1] =	stream.strided.gather @!p1 [hbm4b:s19+s20], $0x4000, s21, s20, $0x38;
	[tilespmem:$0x10000] =	vst v63  }
0x3f: {  	p1 =	sge.u32 s31, s7  }
.Ltmp2:
0x40: {  	_ = 	snop;
	(pc) =	sbr.rel @p1 .LBB1_5-.Ltmp2, $1  }
0x41: {  	_ =	sdelay $0x3  }
0x42: {  	s19 =	simm.s32 $0x1  }
0x43: {  	s19 =	simm.s32 @!p0 $0x0  }
0x44: {  	s19 =	sshll.u32 s19, $0xE  }
0x45: {  	s20 =	sor.u32 $0x40, s19  }
0x46: {  	v1 =	vmov s20;
	_ =	sdelay $0x1  }
0x47: {  	_ =	swait.ge [sflag:s4], $0x4000  }
0x48: {  	[sflag:s4] =	ssyncset.done $0x0  }
0x49: {  	s21 =	simm.s32 $0x0;
	[sflag:s4] =	ssyncadd.s32 $0xFFFFC000  }
0x4a: {  	s19 =	sor.u32 $0x8070, s19;
	v6 =	vld.idx.msk [tilespmem:v1+s21+$0x30 ss:$0x1], $0xffff  }
0x4b: {  	v0 =	vmov s19;
	v8 =	vld.idx.msk [tilespmem:v1+s21+$0xFFFFFFC0 ss:$0x1], $0xffff  }
0x4c: {  	v7 =	vld.idx.msk [tilespmem:v1+s21+$0xFFFFFFD0 ss:$0x1], $0xffff  }
0x4d: {  	v5 =	vld.idx.msk [tilespmem:v1+s21+$0xFFFFFFE0 ss:$0x1], $0xffff  }
0x4e: {  	v4 =	vld.idx.msk [tilespmem:v1+s21+$0xFFFFFFF0 ss:$0x1], $0xffff  }
0x4f: {  	s31 =	sshll.u32 s14, $0xE;
	v2 =	vld.idx.msk [tilespmem:v1+s21+$0x0 ss:$0x1], $0xffff  }
0x50: {  	s19 =	sand.u32 $0x4000, s31;
	v3 =	vld.idx.msk [tilespmem:v1+s21+$0x10 ss:$0x1], $0xffff;
	[tilespmem:v0+s21+$0x0 ss:$0x1] =	vst.idx.msk $0xffff, v6  }
0x51: {  	s22 =	simm.s32 $0x400;
	s20 =	simm.s32 $0x80;
	s19 =	sor.u32 $0x8000, s19;
	[tilespmem:v0+s21+$0xFFFFFF90 ss:$0x1] =	vst.idx.msk $0xffff, v8;
	v6 =	vld.idx.msk [tilespmem:v1+s21+$0x20 ss:$0x1], $0xffff  }
.LBB1_3:
0x52: {  	p1 =	sne.s32 s22, $0xFE00;
	v8 =	vld.idx.msk [tilespmem:v1+s20+$0x30 ss:$0x1], $0xffff;
	[tilespmem:v0+s21+$0xFFFFFFA0 ss:$0x1] =	vst.idx.msk $0xffff, v7  }
0x53: {  	v9 =	vld.idx.msk [tilespmem:v1+s20+$0xFFFFFFC0 ss:$0x1], $0xffff;
	[tilespmem:v0+s21+$0xFFFFFFB0 ss:$0x1] =	vst.idx.msk $0xffff, v5  }
0x54: {  	v7 =	vld.idx.msk [tilespmem:v1+s20+$0xFFFFFFD0 ss:$0x1], $0xffff;
	[tilespmem:v0+s21+$0xFFFFFFC0 ss:$0x1] =	vst.idx.msk $0xffff, v4  }
.Ltmp3:
0x55: {  	v5 =	vld.idx.msk [tilespmem:v1+s20+$0xFFFFFFE0 ss:$0x1], $0xffff;
	[tilespmem:v0+s21+$0xFFFFFFD0 ss:$0x1] =	vst.idx.msk $0xffff, v2;
	(pc) =	sbr.rel @p1 .LBB1_3-.Ltmp3, $4  }
0x56: {  	v4 =	vld.idx.msk [tilespmem:v1+s20+$0xFFFFFFF0 ss:$0x1], $0xffff;
	[tilespmem:v0+s21+$0xFFFFFFE0 ss:$0x1] =	vst.idx.msk $0xffff, v3  }
0x57: {  	v2 =	vld.idx.msk [tilespmem:v1+s20+$0x0 ss:$0x1], $0xffff;
	[tilespmem:v0+s21+$0xFFFFFFF0 ss:$0x1] =	vst.idx.msk $0xffff, v6;
	s21 =	smov.u32 s20  }
0x58: {  	v3 =	vld.idx.msk [tilespmem:v1+s21+$0x10 ss:$0x1], $0xffff;
	[tilespmem:v0+s21+$0x0 ss:$0x1] =	vst.idx.msk $0xffff, v8  }
0x59: {  	s20 =	sshra.s32 s22, $0x2;
	s22 =	sadd.s32 $0x200, s22;
	[tilespmem:v0+s21+$0xFFFFFF90 ss:$0x1] =	vst.idx.msk $0xffff, v9;
	v6 =	vld.idx.msk [tilespmem:v1+s21+$0x20 ss:$0x1], $0xffff  }
.Ltmp4:
0x5a: {  	_ = 	snop;
	(pc) =	sbr.rel .LBB1_4-.Ltmp4, $1  }
0x5b: {  	_ =	sdelay $0x3  }
.LBB1_6:
0x5c: {  	_ =	sfence.sel $0x180000  }
0x5d: {  	s2 =	simm.s32 $0x1;
	[bflag:$0x0] =	sbarrier.arrive $0xFFFF  }
0x5e: {  	s31 =	simm.s32 $0x2;
	[sflag:s2] =	ssyncpa.u1 $0x1  }
0x5f: {  	[sflag:s31] =	ssyncpa.u1 $0x1  }
0x60: {  	p0 =	sne.s32 s1, $0x0;
	_ =	strace $0x90000047  }
0x61: {  	s0 =	sadd.s32 @!p0 $0x100000, s0;
	[bflag:$0x2] =	sbarrier.arrive $0xFFFF  }
0x62: {  	[sflag:s0] =	ssyncadd.tile.s32 @!p0 $0x1;
	_ =	shalt  }
.Lfunc_end1:
_tile_overlayer_lowered:
.L_overlay_start_2:
0x63: {  	(tag) =	ssettag $0x2  }
0x64: {  	s0 =	rddreg [dreg:$0x0];
	s2 =	stileid.u32  }
0x65: {  	s1 =	rddreg [dreg:$0x1];
	p0 =	sne.s32 s2, $0x0  }
0x66: {  	s3 =	rddreg [dreg:$0x2];
	[bflag:$0x3] =	sbarrier.arrive $0xFFFF;
	s2 =	simm.s32 @!p0 $0x1C01  }
0x67: {  	[timem:s3], [sflag:s2] =	dma.local @!p0 [hbm:s0], s1  }
0x68: {  	s0 =	simm.s32 @!p0 $0x1  }
0x69: {  	_ =	swait.ge @!p0 [sflag:s0], s1  }
0x6a: {  	s1 =	ssub.s32 @!p0 $0x0, s1;
	[sflag:s0] =	ssyncset.done @!p0 $0x0  }
0x6b: {  	[sflag:s0] =	ssyncadd.s32 @!p0 s1  }
0x6c: {  	[bflag:$0x3] =	sbarrier.arrive $0xFFFF  }
0x6d: {  	_ =	shalt  }

</sc_bundles>
